<compile_context>
chip_gen: v7x
topology: tpu7x:2x2x1
jax: 0.10.2.dev20260603
libtpu: 0.0.44.dev20260713+nightly
codegen_flags: <defaults>
</compile_context>

<pallas_src>
import functools

import jax
import jax.numpy as jnp
from jax import lax
from jax.experimental import pallas as pl
from jax.experimental.pallas import tpu as pltpu
from jax.experimental.pallas import tpu_sc as plsc

H = 512
W = 512
FX = 500.0
FY = 500.0
K = 8
R = 4.0

N = 16384
M = 4096

MBLK = 512
NBLK = 4096
NSTEPS = N // NBLK
CAND = NSTEPS * K

_BIG_I32 = 2**30
_INF = float("inf")

_SORT_NET = [(0, 1), (2, 3), (4, 5), (6, 7), (0, 2), (1, 3), (4, 6), (5, 7),
             (1, 2), (5, 6), (0, 4), (3, 7), (1, 5), (2, 6), (1, 4), (3, 6),
             (2, 4), (3, 5), (3, 4)]


def _bf(x):
    return x.astype(jnp.bfloat16).astype(jnp.float32)


def _project(xm, ym, zm, proj_ref):
    p = lambda i, j: proj_ref[i:i + 1, j:j + 1]
    pb = lambda i, j: _bf(p(i, j))
    xb, yb, zb = _bf(xm), _bf(ym), _bf(zm)
    pu0 = xb * pb(0, 0) + yb * pb(1, 0) + zb * pb(2, 0) + p(3, 0)
    pu1 = xb * pb(0, 1) + yb * pb(1, 1) + zb * pb(2, 1) + p(3, 1)
    pu2 = xb * pb(0, 2) + yb * pb(1, 2) + zb * pb(2, 2) + p(3, 2)
    reg = xm * p(0, 3) + ym * p(1, 3) + zm * p(2, 3) + p(3, 3)
    regs = reg + 0.0001
    px = ((pu0 / regs + 1.0) * W - 1.0) * 0.5
    py = ((pu1 / regs + 1.0) * H - 1.0) * 0.5
    return px, py, pu2, regs


def _prep_body(sproj_ref, tproj_ref, sm_ref, tm_ref, opac_ref, sc0_ref,
               segf_ref, qp_ref, psegf_ref, ch_ref, q_ref):
    sx, sy, sz = sm_ref[0:1, :], sm_ref[1:2, :], sm_ref[2:3, :]
    px, py, d_src, regs = _project(sx, sy, sz, sproj_ref)
    tx3, ty3, tz3 = tm_ref[0:1, :], tm_ref[1:2, :], tm_ref[2:3, :]
    tpx, tpy, d_t, _ = _project(tx3, ty3, tz3, tproj_ref)
    segz = (2.0 * R) * segf_ref[...]
    p2 = px * px + py * py + segz * segz
    cov1d = sc0_ref[...] * sc0_ref[...]
    cx0 = cov1d * (FX / regs) ** 2 + 0.3
    cy0 = cov1d * (FY / regs) ** 2 + 0.3
    det = cx0 * cy0
    cx = cx0 / det
    cy = cy0 / det
    ch_ref[0:1, :] = px
    ch_ref[1:2, :] = py
    ch_ref[2:3, :] = segz
    ch_ref[3:4, :] = p2
    ch_ref[4:8, :] = jnp.zeros((4, N), jnp.float32)
    ch_ref[8:9, :] = d_src
    ch_ref[9:10, :] = cx
    ch_ref[10:11, :] = cy
    ch_ref[11:12, :] = opac_ref[...]
    ch_ref[12:13, :] = tpx
    ch_ref[13:14, :] = tpy
    ch_ref[14:15, :] = d_t
    ch_ref[15:16, :] = px
    ch_ref[16:17, :] = py
    ch_ref[17:24, :] = jnp.zeros((7, N), jnp.float32)
    qx = qp_ref[:, 0:1]
    qy = qp_ref[:, 1:2]
    qz = (2.0 * R) * psegf_ref[...]
    q_ref[:, 0:1] = qx
    q_ref[:, 1:2] = qy
    q_ref[:, 2:3] = qz
    q_ref[:, 3:4] = qx * qx + qy * qy + qz * qz
    q_ref[:, 4:8] = jnp.zeros((M, 4), jnp.float32)


def _knn_body(keys_ref, q_ref, out_ref, cd_ref, ci_ref):
    j = pl.program_id(1)
    px = keys_ref[0:1, :]
    py = keys_ref[1:2, :]
    pz = keys_ref[2:3, :]
    p2 = keys_ref[3:4, :]
    qx = q_ref[:, 0:1]
    qy = q_ref[:, 1:2]
    qz = q_ref[:, 2:3]
    q2 = q_ref[:, 3:4]
    dot = _bf(qx) * _bf(px) + _bf(qy) * _bf(py) + _bf(qz) * _bf(pz)
    d2c = q2 + p2 - 2.0 * dot

    @pl.when(jnp.min(d2c) <= R * R)
    def _extract():
        d2 = d2c
        lidx = lax.broadcasted_iota(jnp.int32, (MBLK, NBLK), 1)
        base = j * NBLK
        ms, ams = [], []
        for t in range(K):
            m = jnp.min(d2, axis=1, keepdims=True)
            am = jnp.min(jnp.where(d2 == m, lidx, _BIG_I32), axis=1,
                         keepdims=True)
            ms.append(m)
            ams.append(am + base)
            d2 = jnp.where(lidx == am, _INF, d2)
        cd_ref[j] = jnp.concatenate(ms, axis=1)
        ci_ref[j] = jnp.concatenate(ams, axis=1)

    @pl.when(jnp.min(d2c) > R * R)
    def _skip():
        cd_ref[j] = jnp.full((MBLK, K), _INF, jnp.float32)
        ci_ref[j] = jnp.zeros((MBLK, K), jnp.int32)

    @pl.when(j == NSTEPS - 1)
    def _finalize():
        cd = jnp.concatenate([cd_ref[jj] for jj in range(NSTEPS)], axis=1)
        ci = jnp.concatenate([ci_ref[jj] for jj in range(NSTEPS)], axis=1)
        cidx = lax.broadcasted_iota(jnp.int32, (MBLK, CAND), 1)
        for t in range(K):
            m = jnp.min(cd, axis=1, keepdims=True)
            am = jnp.min(jnp.where(cd == m, cidx, _BIG_I32), axis=1,
                         keepdims=True)
            sel = jnp.sum(jnp.where(cidx == am, ci, 0), axis=1, keepdims=True)
            sel = jnp.where(m <= R * R, sel, 0)
            out_ref[:, t:t + 1] = sel
            cd = jnp.where(cidx == am, _INF, cd)


def _sc_gather_body(nc, b_per_w, table_hbm, idx_hbm, out_hbm, idx_v, rows_v,
                    sem):
    wid = lax.axis_index("s") * nc + lax.axis_index("c")
    base = wid * b_per_w
    pltpu.sync_copy(idx_hbm.at[pl.ds(base, b_per_w)], idx_v)
    pltpu.async_copy(table_hbm.at[idx_v], rows_v, sem).wait()
    pltpu.sync_copy(rows_v, out_hbm.at[pl.ds(base, b_per_w)])


def _finish_body(g_ref, sp_ref, tp_ref, out_ref):
    d_src = g_ref[0]
    cx = g_ref[1]
    cy = g_ref[2]
    opac = g_ref[3]
    tpx = g_ref[4]
    tpy = g_ref[5]
    d_t = g_ref[6]
    px = g_ref[7]
    py = g_ref[8]
    qx = sp_ref[0:1, :]
    qy = sp_ref[1:2, :]
    tqx = tp_ref[0:1, :]
    tqy = tp_ref[1:2, :]
    dx = px - qx
    dy = py - qy
    power = -0.5 * (cx + dx * dx + cy * (dy * dy))
    power = jnp.minimum(power, 0.0)
    alpha = jnp.clip(opac * jnp.exp(power), 0.0, 0.99)
    ds = jnp.sqrt(dx * dx + dy * dy)
    tdx = tpx - tqx
    tdy = tpy - tqy
    dt = jnp.sqrt(tdx * tdx + tdy * tdy)
    err = jnp.abs(dt * d_t - ds * d_src)
    keyr = [d_src[i:i + 1, :] for i in range(K)]
    alr = [alpha[i:i + 1, :] for i in range(K)]
    erl = [err[i:i + 1, :] for i in range(K)]
    for i, j in _SORT_NET:
        sw = keyr[i] > keyr[j]
        keyr[i], keyr[j] = (jnp.where(sw, keyr[j], keyr[i]),
                            jnp.where(sw, keyr[i], keyr[j]))
        alr[i], alr[j] = (jnp.where(sw, alr[j], alr[i]),
                          jnp.where(sw, alr[i], alr[j]))
        erl[i], erl[j] = (jnp.where(sw, erl[j], erl[i]),
                          jnp.where(sw, erl[i], erl[j]))
    running = jnp.ones_like(alr[0])
    acc = alr[0] * erl[0]
    for i in range(1, K):
        running = running * (1.0 - alr[i])
        acc = acc + alr[i] * running * erl[i]
    out_ref[...] = jnp.sum(acc, keepdims=True) * (1.0 / M)


def _sc_gather(table, idx):
    info = plsc.get_sparse_core_info()
    nc, ns = info.num_cores, info.num_subcores
    b_per_w = (M * K) // (nc * ns)
    fn = pl.kernel(
        functools.partial(_sc_gather_body, nc, b_per_w),
        out_type=jax.ShapeDtypeStruct((M * K, 16), jnp.float32),
        mesh=plsc.VectorSubcoreMesh(core_axis_name="c", subcore_axis_name="s"),
        compiler_params=pltpu.CompilerParams(use_tc_tiling_on_sc=False),
        scratch_types=[
            pltpu.VMEM((b_per_w,), jnp.int32),
            pltpu.VMEM((b_per_w, 16), jnp.float32),
            pltpu.SemaphoreType.DMA,
        ],
    )
    return fn(table, idx)


def kernel(src_proj, target_proj, src_means3D, target_means3D, opacity,
           scales, segmentation, src_particles, target_particles,
           particles_seg):
    f32 = jnp.float32
    sm = src_means3D.T
    tm = target_means3D.T
    opac = opacity.reshape(1, N)
    sc0 = scales[:, 0].reshape(1, N)
    segf = segmentation.astype(f32).reshape(1, N)
    psegf = particles_seg.astype(f32).reshape(M, 1)

    channels, qchan = pl.pallas_call(
        _prep_body,
        out_shape=(jax.ShapeDtypeStruct((24, N), f32),
                   jax.ShapeDtypeStruct((M, 8), f32)),
    )(src_proj, target_proj, sm, tm, opac, sc0, segf, src_particles, psegf)

    keys = channels[0:8]
    knn_idx = pl.pallas_call(
        _knn_body,
        grid=(M // MBLK, NSTEPS),
        in_specs=[
            pl.BlockSpec((8, NBLK), lambda i, j: (0, j)),
            pl.BlockSpec((MBLK, 8), lambda i, j: (i, 0)),
        ],
        out_specs=pl.BlockSpec((MBLK, K), lambda i, j: (i, 0)),
        out_shape=jax.ShapeDtypeStruct((M, K), jnp.int32),
        scratch_shapes=[
            pltpu.VMEM((NSTEPS, MBLK, K), f32),
            pltpu.VMEM((NSTEPS, MBLK, K), jnp.int32),
        ],
    )(keys, qchan)

    ptable = channels[8:24].T
    gathered = _sc_gather(ptable, knn_idx.reshape(M * K))

    g = gathered.reshape(M, K, 16).transpose(2, 1, 0)
    out = pl.pallas_call(
        _finish_body,
        out_shape=jax.ShapeDtypeStruct((1, 1), f32),
    )(g, src_particles.T, target_particles.T)
    return out[0, 0]

# --- scband reference (transcript-rebuilt; emitter-appended) ---
"""Pipeline reference for scband-tracking-loss-20753281974668 (READ-ONLY COPY).

The authoritative reference and input builder live on the scoring server;
editing this copy changes nothing except your own understanding.
"""

import jax, jax.numpy as jnp
import numpy as np

H = 512
W = 512
FX = 500.0
FY = 500.0
K = 8
R = 4.0


def get_means_2D(xyz, proj, opacity=None, scales=None, return_depths=False, return_conical_opacity=False):
    pu = xyz @ proj[:3, :3] + proj[3:4, :3]
    reg = jnp.sum(xyz * proj[:3, 3].reshape(1, 3), axis=-1) + proj[3, 3]
    ph = pu / (reg[:, None] + 0.0001)
    depths = pu[:, 2:3]
    px = ((ph[:, 0] + 1.0) * W - 1.0) * 0.5
    py = ((ph[:, 1] + 1.0) * H - 1.0) * 0.5
    means2D = jnp.stack([px, py], axis=-1)
    if return_depths and (not return_conical_opacity):
        return means2D, depths
    if return_conical_opacity:
        cov_1d = scales[:, 0] ** 2
        cx = cov_1d * (FX / (reg + 0.0001)) ** 2 + 0.3
        cy = cov_1d * (FY / (reg + 0.0001)) ** 2 + 0.3
        det = cx * cy
        cx = cx / det
        cy = cy / det
        cxy = jnp.zeros_like(cx)
        conical = jnp.stack([cx, cxy, cy, opacity.reshape(-1)], axis=-1)
        return means2D, depths, conical
    return means2D


def frnn_bruteforce(queries, points, k, r):
    # brute-force fixed-radius KNN replacing frnn.frnn_grid_points
    q2 = jnp.sum(queries ** 2, axis=-1, keepdims=True)
    p2 = jnp.sum(points ** 2, axis=-1)
    d2 = jax.lax.stop_gradient(q2 + p2[None, :] - 2.0 * (queries @ points.T))
    neg, idxs = jax.lax.top_k(-d2, k)
    d2k = -neg
    idxs = jnp.where(d2k <= r * r, idxs, -1)
    return d2k, idxs


def _forward(src_proj, target_proj, src_means3D, target_means3D, opacity, scales, src_particles, target_particles, segmentation, particles_seg):
    means2D_target, depths_target = get_means_2D(target_means3D, target_proj, return_depths=True)
    depths_target = jax.lax.stop_gradient(depths_target)
    means2D_src, depths_src, conical = get_means_2D(src_means3D, src_proj, opacity, scales, return_depths=True, return_conical_opacity=True)
    means2D_src = jax.lax.stop_gradient(means2D_src)
    depths_src = jax.lax.stop_gradient(depths_src).reshape(-1)
    conical = jax.lax.stop_gradient(conical)
    seg = 2.0 * R * segmentation.reshape(-1).astype(jnp.float32)
    means2D_src_wseg = jnp.concatenate([means2D_src, seg[:, None]], axis=1)
    trk_seg = 2.0 * R * particles_seg.reshape(-1).astype(jnp.float32)
    src_particles_wseg = jnp.concatenate([src_particles, trk_seg[:, None]], axis=1)
    _, raw_knn_idxs = frnn_bruteforce(src_particles_wseg, means2D_src_wseg, K, R)
    M = src_particles.shape[0]
    # torch code overwrites -1 with 0 BEFORE computing mask, so mask is all-True; replicated faithfully
    raw_knn_idxs = jnp.where(raw_knn_idxs == -1, 0, raw_knn_idxs)
    depths_knn = depths_src[raw_knn_idxs]
    order = jnp.argsort(depths_knn, axis=-1)
    knn_idxs = jnp.take_along_axis(raw_knn_idxs, order, axis=1).reshape(-1)
    particles_idxs = jnp.repeat(jnp.arange(M), K)
    src_particles_g = src_particles[particles_idxs]
    means2D_src_g = means2D_src[knn_idxs]
    depths_src_g = depths_src[knn_idxs]
    conical_g = conical[knn_idxs]
    dists = means2D_src_g - src_particles_g
    # _accumulate_opacity_into_influence
    power = -0.5 * (conical_g[:, 0] + dists[:, 0] ** 2 + conical_g[:, 2] * dists[:, 1] ** 2)
    power = power - conical_g[:, 1] * dists[:, 0] * dists[:, 1]
    power = jnp.minimum(power, 0.0)
    alpha = jnp.clip(conical_g[:, 3] * jnp.exp(power), 0.0, 0.99)
    track_local = particles_idxs.reshape(-1)
    ptr = jnp.arange(1, M) * K
    log_t = jnp.log2(1.0 - alpha)
    log_agg = jnp.cumsum(log_t)
    diff_corr = jnp.concatenate([jnp.zeros((1,), log_t.dtype), log_agg[ptr - 1]])
    diff_corr = diff_corr[track_local]
    log_agg = log_agg - diff_corr
    agg = jnp.exp2(log_agg)
    ptr_wzero = jnp.concatenate([jnp.zeros((1,), ptr.dtype), ptr])
    init_t = agg[ptr_wzero][track_local]
    agg = agg / init_t
    influences = jax.lax.stop_gradient(alpha * agg)
    dists_source = jnp.linalg.norm(dists, axis=-1)
    target_particles_g = target_particles[particles_idxs]
    means2D_target_g = means2D_target[knn_idxs]
    depths_target_g = depths_target.reshape(-1)[knn_idxs]
    dists_target = jnp.linalg.norm(means2D_target_g - target_particles_g, axis=-1)
    errors = jnp.abs(dists_target * depths_target_g - dists_source * depths_src_g) * influences
    idx_contig = particles_idxs.reshape(-1)
    nseg = M
    seg_err = jax.ops.segment_sum(errors, idx_contig, num_segments=nseg)
    return jnp.mean(seg_err)


def setup_inputs(seed: int = 0):
    key = jax.random.key(seed)
    ks = jax.random.split(key, 10)
    N = 16384
    M = 4096
    return {
        'src_proj': jax.random.normal(ks[0], (4, 4), jnp.float32),
        'target_proj': jax.random.normal(ks[1], (4, 4), jnp.float32),
        'src_means3D': jax.random.normal(ks[2], (N, 3), jnp.float32),
        'target_means3D': jax.random.normal(ks[3], (N, 3), jnp.float32),
        'opacity': jax.random.uniform(ks[4], (N, 1), jnp.float32),
        'scales': jax.random.uniform(ks[5], (N, 3), jnp.float32),
        'segmentation': jax.random.randint(ks[6], (N,), 0, 16),
        'src_particles': jax.random.normal(ks[7], (M, 2), jnp.float32),
        'target_particles': jax.random.normal(ks[8], (M, 2), jnp.float32),
        'particles_seg': jax.random.randint(ks[9], (M,), 0, 16),
    }


def reference(src_proj, target_proj, src_means3D, target_means3D, opacity, scales, segmentation, src_particles, target_particles, particles_seg):
    return _forward(src_proj, target_proj, src_means3D, target_means3D, opacity, scales, src_particles, target_particles, segmentation, particles_seg)

if __name__ == "__main__":
    import jax
    _d = setup_inputs()
    print(jax.jit(kernel)(*tuple(_d.values())))

</pallas_src>

<mosaic_0001>
#map = affine_map<(d0, d1) -> (0, 0)>
#map1 = affine_map<(d0, d1) -> (0)>
module attributes {stable_mosaic.version = 14 : i64} {
  func.func @_sc_gather_body(%arg0: i32, %arg1: i32, %arg2: memref<16384x16xf32, #tpu.memory_space<hbm>>, %arg3: memref<32768xi32, #tpu.memory_space<hbm>>, %arg4: memref<32768x16xf32, #tpu.memory_space<hbm>>, %arg5: memref<1024xi32, #tpu.memory_space<vmem>>, %arg6: memref<1024x16xf32, #tpu.memory_space<vmem>>, %arg7: memref<!tpu.dma_semaphore, #tpu.memory_space<semaphore_mem>>) attributes {dimension_semantics = [#tpu.dimension_semantics<core_parallel>, #tpu.dimension_semantics<subcore_parallel>], iteration_bounds = array<i64: 2, 16>, scalar_prefetch = 0 : i64, scratch_operands = 3 : i64, tpu.core_type = #tpu.core_type<sc_vector_subcore>, window_params = [{transform_indices = #map}, {transform_indices = #map1}, {transform_indices = #map}]} {
    %mul3A = arith.constant 2 : i32
    %mul3A_0 = arith.muli %arg1, %mul3A : i32
    %add3A = arith.addi %mul3A_0, %arg0 : i32
    %mul3A_1 = arith.constant 1024 : i32
    %mul3A_2 = arith.muli %add3A, %mul3A_1 : i32
    "tpu.region"() ({
      %run_scoped3A = tpu.sem_alloc : memref<!tpu.dma_semaphore, #tpu.memory_space<semaphore_mem>>
      %dma_start3A_7 = tpu.memref_slice %arg3[%mul3A_2] : memref<32768xi32, #tpu.memory_space<hbm>> -> memref<1024xi32, #tpu.memory_space<hbm>>
      %dma_start3A_8 = tpu.memref_slice %arg3[%mul3A_2] : memref<32768xi32, #tpu.memory_space<hbm>> -> memref<1024xi32, #tpu.memory_space<hbm>>
      tpu.enqueue_dma source(%dma_start3A_8 : memref<1024xi32, #tpu.memory_space<hbm>>) target(%arg5 : memref<1024xi32, #tpu.memory_space<vmem>>) target_semaphore(%run_scoped3A : memref<!tpu.dma_semaphore, #tpu.memory_space<semaphore_mem>>)
      %dma_wait3A_9 = tpu.memref_slice %arg3[%mul3A_2] : memref<32768xi32, #tpu.memory_space<hbm>> -> memref<1024xi32, #tpu.memory_space<hbm>>
      %dma_wait3A_10 = tpu.memref_slice %arg3[%mul3A_2] : memref<32768xi32, #tpu.memory_space<hbm>> -> memref<1024xi32, #tpu.memory_space<hbm>>
      tpu.wait_dma2 semaphore(%run_scoped3A : memref<!tpu.dma_semaphore, #tpu.memory_space<semaphore_mem>>) src(%dma_wait3A_10 : memref<1024xi32, #tpu.memory_space<hbm>>) dst(%arg5 : memref<1024xi32, #tpu.memory_space<vmem>>)
      tpu.yield
    }) : () -> ()
    %dma_start3A = arith.constant 0 : i32
    %dma_start3A_3 = arith.constant 0 : i32
    %dma_start3A_4 = tpu.memref_slice %arg2[%dma_start3A, %dma_start3A_3] : memref<16384x16xf32, #tpu.memory_space<hbm>> -> memref<16384x16xf32, #tpu.memory_space<hbm>>
    tpu.enqueue_indirect_dma source(%dma_start3A_4 : memref<16384x16xf32, #tpu.memory_space<hbm>>) target(%arg6 : memref<1024x16xf32, #tpu.memory_space<vmem>>) offsets(%arg5 : memref<1024xi32, #tpu.memory_space<vmem>>) semaphore(%arg7 : memref<!tpu.dma_semaphore, #tpu.memory_space<semaphore_mem>>)
    %dma_wait3A = arith.constant 0 : i32
    %dma_wait3A_5 = arith.constant 0 : i32
    %dma_wait3A_6 = tpu.memref_slice %arg2[%dma_wait3A, %dma_wait3A_5] : memref<16384x16xf32, #tpu.memory_space<hbm>> -> memref<16384x16xf32, #tpu.memory_space<hbm>>
    tpu.wait_indirect_dma semaphore(%arg7 : memref<!tpu.dma_semaphore, #tpu.memory_space<semaphore_mem>>) src(%dma_wait3A_6 : memref<16384x16xf32, #tpu.memory_space<hbm>>) dst(%arg6 : memref<1024x16xf32, #tpu.memory_space<vmem>>)
    "tpu.region"() ({
      %run_scoped3A = tpu.sem_alloc : memref<!tpu.dma_semaphore, #tpu.memory_space<semaphore_mem>>
      %dma_start3A_7 = arith.constant 0 : i32
      %dma_start3A_8 = tpu.memref_slice %arg4[%mul3A_2, %dma_start3A_7] : memref<32768x16xf32, #tpu.memory_space<hbm>> -> memref<1024x16xf32, #tpu.memory_space<hbm>>
      %dma_start3A_9 = arith.constant 0 : i32
      %dma_start3A_10 = tpu.memref_slice %arg4[%mul3A_2, %dma_start3A_9] : memref<32768x16xf32, #tpu.memory_space<hbm>> -> memref<1024x16xf32, #tpu.memory_space<hbm>>
      tpu.enqueue_dma source(%arg6 : memref<1024x16xf32, #tpu.memory_space<vmem>>) target(%dma_start3A_10 : memref<1024x16xf32, #tpu.memory_space<hbm>>) target_semaphore(%run_scoped3A : memref<!tpu.dma_semaphore, #tpu.memory_space<semaphore_mem>>)
      %dma_wait3A_11 = arith.constant 0 : i32
      %dma_wait3A_12 = tpu.memref_slice %arg4[%mul3A_2, %dma_wait3A_11] : memref<32768x16xf32, #tpu.memory_space<hbm>> -> memref<1024x16xf32, #tpu.memory_space<hbm>>
      %dma_wait3A_13 = arith.constant 0 : i32
      %dma_wait3A_14 = tpu.memref_slice %arg4[%mul3A_2, %dma_wait3A_13] : memref<32768x16xf32, #tpu.memory_space<hbm>> -> memref<1024x16xf32, #tpu.memory_space<hbm>>
      tpu.wait_dma2 semaphore(%run_scoped3A : memref<!tpu.dma_semaphore, #tpu.memory_space<semaphore_mem>>) src(%arg6 : memref<1024x16xf32, #tpu.memory_space<vmem>>) dst(%dma_wait3A_14 : memref<1024x16xf32, #tpu.memory_space<hbm>>)
      tpu.yield
    }) : () -> ()
    return
  }
}

module attributes {stable_mosaic.version = 14 : i64} {
  func.func @_prep_body(%arg0: memref<4x4xf32, #tpu.memory_space<vmem>>, %arg1: memref<4x4xf32, #tpu.memory_space<vmem>>, %arg2: memref<3x16384xf32, #tpu.memory_space<vmem>>, %arg3: memref<3x16384xf32, #tpu.memory_space<vmem>>, %arg4: memref<1x16384xf32, #tpu.memory_space<vmem>>, %arg5: memref<1x16384xf32, #tpu.memory_space<vmem>>, %arg6: memref<1x16384xf32, #tpu.memory_space<vmem>>, %arg7: memref<4096x2xf32, #tpu.memory_space<vmem>>, %arg8: memref<4096x1xf32, #tpu.memory_space<vmem>>, %arg9: memref<24x16384xf32, #tpu.memory_space<vmem>>, %arg10: memref<4096x8xf32, #tpu.memory_space<vmem>>) attributes {dimension_semantics = [], scalar_prefetch = 0 : i64, scratch_operands = 0 : i64, tpu.core_type = #tpu.core_type<tc>} {
    %get3A = arith.constant 0 : index
    %get3A_0 = arith.constant 0 : index
    %get3A_1 = vector.load %arg2[%get3A, %get3A_0] : memref<3x16384xf32, #tpu.memory_space<vmem>>, vector<1x16384xf32>
    %get3A_2 = arith.constant 1 : index
    %get3A_3 = arith.constant 0 : index
    %get3A_4 = vector.load %arg2[%get3A_2, %get3A_3] : memref<3x16384xf32, #tpu.memory_space<vmem>>, vector<1x16384xf32>
    %get3A_5 = arith.constant 2 : index
    %get3A_6 = arith.constant 0 : index
    %get3A_7 = vector.load %arg2[%get3A_5, %get3A_6] : memref<3x16384xf32, #tpu.memory_space<vmem>>, vector<1x16384xf32>
    %convert_element_type3A = arith.truncf %get3A_1 : vector<1x16384xf32> to vector<1x16384xbf16>
    %convert_element_type3A_8 = arith.extf %convert_element_type3A : vector<1x16384xbf16> to vector<1x16384xf32>
    %convert_element_type3A_9 = arith.truncf %get3A_4 : vector<1x16384xf32> to vector<1x16384xbf16>
    %convert_element_type3A_10 = arith.extf %convert_element_type3A_9 : vector<1x16384xbf16> to vector<1x16384xf32>
    %convert_element_type3A_11 = arith.truncf %get3A_7 : vector<1x16384xf32> to vector<1x16384xbf16>
    %convert_element_type3A_12 = arith.extf %convert_element_type3A_11 : vector<1x16384xbf16> to vector<1x16384xf32>
    %get3A_13 = arith.constant 0 : index
    %get3A_14 = arith.constant 0 : index
    %get3A_15 = vector.load %arg0[%get3A_13, %get3A_14] : memref<4x4xf32, #tpu.memory_space<vmem>>, vector<1x1xf32>
    %convert_element_type3A_16 = arith.truncf %get3A_15 : vector<1x1xf32> to vector<1x1xbf16>
    %convert_element_type3A_17 = arith.extf %convert_element_type3A_16 : vector<1x1xbf16> to vector<1x1xf32>
    %mul3A = vector.broadcast %convert_element_type3A_17 : vector<1x1xf32> to vector<1x16384xf32>
    %mul3A_18 = arith.mulf %convert_element_type3A_8, %mul3A : vector<1x16384xf32>
    %get3A_19 = arith.constant 1 : index
    %get3A_20 = arith.constant 0 : index
    %get3A_21 = vector.load %arg0[%get3A_19, %get3A_20] : memref<4x4xf32, #tpu.memory_space<vmem>>, vector<1x1xf32>
    %convert_element_type3A_22 = arith.truncf %get3A_21 : vector<1x1xf32> to vector<1x1xbf16>
    %convert_element_type3A_23 = arith.extf %convert_element_type3A_22 : vector<1x1xbf16> to vector<1x1xf32>
    %mul3A_24 = vector.broadcast %convert_element_type3A_23 : vector<1x1xf32> to vector<1x16384xf32>
    %mul3A_25 = arith.mulf %convert_element_type3A_10, %mul3A_24 : vector<1x16384xf32>
    %add3A = arith.addf %mul3A_18, %mul3A_25 : vector<1x16384xf32>
    %get3A_26 = arith.constant 2 : index
    %get3A_27 = arith.constant 0 : index
    %get3A_28 = vector.load %arg0[%get3A_26, %get3A_27] : memref<4x4xf32, #tpu.memory_space<vmem>>, vector<1x1xf32>
    %convert_element_type3A_29 = arith.truncf %get3A_28 : vector<1x1xf32> to vector<1x1xbf16>
    %convert_element_type3A_30 = arith.extf %convert_element_type3A_29 : vector<1x1xbf16> to vector<1x1xf32>
    %mul3A_31 = vector.broadcast %convert_element_type3A_30 : vector<1x1xf32> to vector<1x16384xf32>
    %mul3A_32 = arith.mulf %convert_element_type3A_12, %mul3A_31 : vector<1x16384xf32>
    %add3A_33 = arith.addf %add3A, %mul3A_32 : vector<1x16384xf32>
    %get3A_34 = arith.constant 3 : index
    %get3A_35 = arith.constant 0 : index
    %get3A_36 = vector.load %arg0[%get3A_34, %get3A_35] : memref<4x4xf32, #tpu.memory_space<vmem>>, vector<1x1xf32>
    %add3A_37 = vector.broadcast %get3A_36 : vector<1x1xf32> to vector<1x16384xf32>
    %add3A_38 = arith.addf %add3A_33, %add3A_37 : vector<1x16384xf32>
    %get3A_39 = arith.constant 0 : index
    %get3A_40 = arith.constant 1 : index
    %get3A_41 = vector.load %arg0[%get3A_39, %get3A_40] : memref<4x4xf32, #tpu.memory_space<vmem>>, vector<1x1xf32>
    %convert_element_type3A_42 = arith.truncf %get3A_41 : vector<1x1xf32> to vector<1x1xbf16>
    %convert_element_type3A_43 = arith.extf %convert_element_type3A_42 : vector<1x1xbf16> to vector<1x1xf32>
    %mul3A_44 = vector.broadcast %convert_element_type3A_43 : vector<1x1xf32> to vector<1x16384xf32>
    %mul3A_45 = arith.mulf %convert_element_type3A_8, %mul3A_44 : vector<1x16384xf32>
    %get3A_46 = arith.constant 1 : index
    %get3A_47 = arith.constant 1 : index
    %get3A_48 = vector.load %arg0[%get3A_46, %get3A_47] : memref<4x4xf32, #tpu.memory_space<vmem>>, vector<1x1xf32>
    %convert_element_type3A_49 = arith.truncf %get3A_48 : vector<1x1xf32> to vector<1x1xbf16>
    %convert_element_type3A_50 = arith.extf %convert_element_type3A_49 : vector<1x1xbf16> to vector<1x1xf32>
    %mul3A_51 = vector.broadcast %convert_element_type3A_50 : vector<1x1xf32> to vector<1x16384xf32>
    %mul3A_52 = arith.mulf %convert_element_type3A_10, %mul3A_51 : vector<1x16384xf32>
    %add3A_53 = arith.addf %mul3A_45, %mul3A_52 : vector<1x16384xf32>
    %get3A_54 = arith.constant 2 : index
    %get3A_55 = arith.constant 1 : index
    %get3A_56 = vector.load %arg0[%get3A_54, %get3A_55] : memref<4x4xf32, #tpu.memory_space<vmem>>, vector<1x1xf32>
    %convert_element_type3A_57 = arith.truncf %get3A_56 : vector<1x1xf32> to vector<1x1xbf16>
    %convert_element_type3A_58 = arith.extf %convert_element_type3A_57 : vector<1x1xbf16> to vector<1x1xf32>
    %mul3A_59 = vector.broadcast %convert_element_type3A_58 : vector<1x1xf32> to vector<1x16384xf32>
    %mul3A_60 = arith.mulf %convert_element_type3A_12, %mul3A_59 : vector<1x16384xf32>
    %add3A_61 = arith.addf %add3A_53, %mul3A_60 : vector<1x16384xf32>
    %get3A_62 = arith.constant 3 : index
    %get3A_63 = arith.constant 1 : index
    %get3A_64 = vector.load %arg0[%get3A_62, %get3A_63] : memref<4x4xf32, #tpu.memory_space<vmem>>, vector<1x1xf32>
    %add3A_65 = vector.broadcast %get3A_64 : vector<1x1xf32> to vector<1x16384xf32>
    %add3A_66 = arith.addf %add3A_61, %add3A_65 : vector<1x16384xf32>
    %get3A_67 = arith.constant 0 : index
    %get3A_68 = arith.constant 2 : index
    %get3A_69 = vector.load %arg0[%get3A_67, %get3A_68] : memref<4x4xf32, #tpu.memory_space<vmem>>, vector<1x1xf32>
    %convert_element_type3A_70 = arith.truncf %get3A_69 : vector<1x1xf32> to vector<1x1xbf16>
    %convert_element_type3A_71 = arith.extf %convert_element_type3A_70 : vector<1x1xbf16> to vector<1x1xf32>
    %mul3A_72 = vector.broadcast %convert_element_type3A_71 : vector<1x1xf32> to vector<1x16384xf32>
    %mul3A_73 = arith.mulf %convert_element_type3A_8, %mul3A_72 : vector<1x16384xf32>
    %get3A_74 = arith.constant 1 : index
    %get3A_75 = arith.constant 2 : index
    %get3A_76 = vector.load %arg0[%get3A_74, %get3A_75] : memref<4x4xf32, #tpu.memory_space<vmem>>, vector<1x1xf32>
    %convert_element_type3A_77 = arith.truncf %get3A_76 : vector<1x1xf32> to vector<1x1xbf16>
    %convert_element_type3A_78 = arith.extf %convert_element_type3A_77 : vector<1x1xbf16> to vector<1x1xf32>
    %mul3A_79 = vector.broadcast %convert_element_type3A_78 : vector<1x1xf32> to vector<1x16384xf32>
    %mul3A_80 = arith.mulf %convert_element_type3A_10, %mul3A_79 : vector<1x16384xf32>
    %add3A_81 = arith.addf %mul3A_73, %mul3A_80 : vector<1x16384xf32>
    %get3A_82 = arith.constant 2 : index
    %get3A_83 = arith.constant 2 : index
    %get3A_84 = vector.load %arg0[%get3A_82, %get3A_83] : memref<4x4xf32, #tpu.memory_space<vmem>>, vector<1x1xf32>
    %convert_element_type3A_85 = arith.truncf %get3A_84 : vector<1x1xf32> to vector<1x1xbf16>
    %convert_element_type3A_86 = arith.extf %convert_element_type3A_85 : vector<1x1xbf16> to vector<1x1xf32>
    %mul3A_87 = vector.broadcast %convert_element_type3A_86 : vector<1x1xf32> to vector<1x16384xf32>
    %mul3A_88 = arith.mulf %convert_element_type3A_12, %mul3A_87 : vector<1x16384xf32>
    %add3A_89 = arith.addf %add3A_81, %mul3A_88 : vector<1x16384xf32>
    %get3A_90 = arith.constant 3 : index
    %get3A_91 = arith.constant 2 : index
    %get3A_92 = vector.load %arg0[%get3A_90, %get3A_91] : memref<4x4xf32, #tpu.memory_space<vmem>>, vector<1x1xf32>
    %add3A_93 = vector.broadcast %get3A_92 : vector<1x1xf32> to vector<1x16384xf32>
    %add3A_94 = arith.addf %add3A_89, %add3A_93 : vector<1x16384xf32>
    %get3A_95 = arith.constant 0 : index
    %get3A_96 = arith.constant 3 : index
    %get3A_97 = vector.load %arg0[%get3A_95, %get3A_96] : memref<4x4xf32, #tpu.memory_space<vmem>>, vector<1x1xf32>
    %mul3A_98 = vector.broadcast %get3A_97 : vector<1x1xf32> to vector<1x16384xf32>
    %mul3A_99 = arith.mulf %get3A_1, %mul3A_98 : vector<1x16384xf32>
    %get3A_100 = arith.constant 1 : index
    %get3A_101 = arith.constant 3 : index
    %get3A_102 = vector.load %arg0[%get3A_100, %get3A_101] : memref<4x4xf32, #tpu.memory_space<vmem>>, vector<1x1xf32>
    %mul3A_103 = vector.broadcast %get3A_102 : vector<1x1xf32> to vector<1x16384xf32>
    %mul3A_104 = arith.mulf %get3A_4, %mul3A_103 : vector<1x16384xf32>
    %add3A_105 = arith.addf %mul3A_99, %mul3A_104 : vector<1x16384xf32>
    %get3A_106 = arith.constant 2 : index
    %get3A_107 = arith.constant 3 : index
    %get3A_108 = vector.load %arg0[%get3A_106, %get3A_107] : memref<4x4xf32, #tpu.memory_space<vmem>>, vector<1x1xf32>
    %mul3A_109 = vector.broadcast %get3A_108 : vector<1x1xf32> to vector<1x16384xf32>
    %mul3A_110 = arith.mulf %get3A_7, %mul3A_109 : vector<1x16384xf32>
    %add3A_111 = arith.addf %add3A_105, %mul3A_110 : vector<1x16384xf32>
    %get3A_112 = arith.constant 3 : index
    %get3A_113 = arith.constant 3 : index
    %get3A_114 = vector.load %arg0[%get3A_112, %get3A_113] : memref<4x4xf32, #tpu.memory_space<vmem>>, vector<1x1xf32>
    %add3A_115 = vector.broadcast %get3A_114 : vector<1x1xf32> to vector<1x16384xf32>
    %add3A_116 = arith.addf %add3A_111, %add3A_115 : vector<1x16384xf32>
    %add3A_117 = arith.constant 9.99999974E-5 : f32
    %add3A_118 = vector.broadcast %add3A_117 : f32 to vector<1x16384xf32>
    %add3A_119 = arith.addf %add3A_116, %add3A_118 : vector<1x16384xf32>
    %div3A = arith.divf %add3A_38, %add3A_119 : vector<1x16384xf32>
    %add3A_120 = arith.constant 1.000000e+00 : f32
    %add3A_121 = vector.broadcast %add3A_120 : f32 to vector<1x16384xf32>
    %add3A_122 = arith.addf %div3A, %add3A_121 : vector<1x16384xf32>
    %mul3A_123 = arith.constant 5.120000e+02 : f32
    %mul3A_124 = vector.broadcast %mul3A_123 : f32 to vector<1x16384xf32>
    %mul3A_125 = arith.mulf %add3A_122, %mul3A_124 : vector<1x16384xf32>
    %sub3A = arith.constant 1.000000e+00 : f32
    %sub3A_126 = vector.broadcast %sub3A : f32 to vector<1x16384xf32>
    %sub3A_127 = arith.subf %mul3A_125, %sub3A_126 : vector<1x16384xf32>
    %mul3A_128 = arith.constant 5.000000e-01 : f32
    %mul3A_129 = vector.broadcast %mul3A_128 : f32 to vector<1x16384xf32>
    %mul3A_130 = arith.mulf %sub3A_127, %mul3A_129 : vector<1x16384xf32>
    %div3A_131 = arith.divf %add3A_66, %add3A_119 : vector<1x16384xf32>
    %add3A_132 = arith.constant 1.000000e+00 : f32
    %add3A_133 = vector.broadcast %add3A_132 : f32 to vector<1x16384xf32>
    %add3A_134 = arith.addf %div3A_131, %add3A_133 : vector<1x16384xf32>
    %mul3A_135 = arith.constant 5.120000e+02 : f32
    %mul3A_136 = vector.broadcast %mul3A_135 : f32 to vector<1x16384xf32>
    %mul3A_137 = arith.mulf %add3A_134, %mul3A_136 : vector<1x16384xf32>
    %sub3A_138 = arith.constant 1.000000e+00 : f32
    %sub3A_139 = vector.broadcast %sub3A_138 : f32 to vector<1x16384xf32>
    %sub3A_140 = arith.subf %mul3A_137, %sub3A_139 : vector<1x16384xf32>
    %mul3A_141 = arith.constant 5.000000e-01 : f32
    %mul3A_142 = vector.broadcast %mul3A_141 : f32 to vector<1x16384xf32>
    %mul3A_143 = arith.mulf %sub3A_140, %mul3A_142 : vector<1x16384xf32>
    %get3A_144 = arith.constant 0 : index
    %get3A_145 = arith.constant 0 : index
    %get3A_146 = vector.load %arg3[%get3A_144, %get3A_145] : memref<3x16384xf32, #tpu.memory_space<vmem>>, vector<1x16384xf32>
    %get3A_147 = arith.constant 1 : index
    %get3A_148 = arith.constant 0 : index
    %get3A_149 = vector.load %arg3[%get3A_147, %get3A_148] : memref<3x16384xf32, #tpu.memory_space<vmem>>, vector<1x16384xf32>
    %get3A_150 = arith.constant 2 : index
    %get3A_151 = arith.constant 0 : index
    %get3A_152 = vector.load %arg3[%get3A_150, %get3A_151] : memref<3x16384xf32, #tpu.memory_space<vmem>>, vector<1x16384xf32>
    %convert_element_type3A_153 = arith.truncf %get3A_146 : vector<1x16384xf32> to vector<1x16384xbf16>
    %convert_element_type3A_154 = arith.extf %convert_element_type3A_153 : vector<1x16384xbf16> to vector<1x16384xf32>
    %convert_element_type3A_155 = arith.truncf %get3A_149 : vector<1x16384xf32> to vector<1x16384xbf16>
    %convert_element_type3A_156 = arith.extf %convert_element_type3A_155 : vector<1x16384xbf16> to vector<1x16384xf32>
    %convert_element_type3A_157 = arith.truncf %get3A_152 : vector<1x16384xf32> to vector<1x16384xbf16>
    %convert_element_type3A_158 = arith.extf %convert_element_type3A_157 : vector<1x16384xbf16> to vector<1x16384xf32>
    %get3A_159 = arith.constant 0 : index
    %get3A_160 = arith.constant 0 : index
    %get3A_161 = vector.load %arg1[%get3A_159, %get3A_160] : memref<4x4xf32, #tpu.memory_space<vmem>>, vector<1x1xf32>
    %convert_element_type3A_162 = arith.truncf %get3A_161 : vector<1x1xf32> to vector<1x1xbf16>
    %convert_element_type3A_163 = arith.extf %convert_element_type3A_162 : vector<1x1xbf16> to vector<1x1xf32>
    %mul3A_164 = vector.broadcast %convert_element_type3A_163 : vector<1x1xf32> to vector<1x16384xf32>
    %mul3A_165 = arith.mulf %convert_element_type3A_154, %mul3A_164 : vector<1x16384xf32>
    %get3A_166 = arith.constant 1 : index
    %get3A_167 = arith.constant 0 : index
    %get3A_168 = vector.load %arg1[%get3A_166, %get3A_167] : memref<4x4xf32, #tpu.memory_space<vmem>>, vector<1x1xf32>
    %convert_element_type3A_169 = arith.truncf %get3A_168 : vector<1x1xf32> to vector<1x1xbf16>
    %convert_element_type3A_170 = arith.extf %convert_element_type3A_169 : vector<1x1xbf16> to vector<1x1xf32>
    %mul3A_171 = vector.broadcast %convert_element_type3A_170 : vector<1x1xf32> to vector<1x16384xf32>
    %mul3A_172 = arith.mulf %convert_element_type3A_156, %mul3A_171 : vector<1x16384xf32>
    %add3A_173 = arith.addf %mul3A_165, %mul3A_172 : vector<1x16384xf32>
    %get3A_174 = arith.constant 2 : index
    %get3A_175 = arith.constant 0 : index
    %get3A_176 = vector.load %arg1[%get3A_174, %get3A_175] : memref<4x4xf32, #tpu.memory_space<vmem>>, vector<1x1xf32>
    %convert_element_type3A_177 = arith.truncf %get3A_176 : vector<1x1xf32> to vector<1x1xbf16>
    %convert_element_type3A_178 = arith.extf %convert_element_type3A_177 : vector<1x1xbf16> to vector<1x1xf32>
    %mul3A_179 = vector.broadcast %convert_element_type3A_178 : vector<1x1xf32> to vector<1x16384xf32>
    %mul3A_180 = arith.mulf %convert_element_type3A_158, %mul3A_179 : vector<1x16384xf32>
    %add3A_181 = arith.addf %add3A_173, %mul3A_180 : vector<1x16384xf32>
    %get3A_182 = arith.constant 3 : index
    %get3A_183 = arith.constant 0 : index
    %get3A_184 = vector.load %arg1[%get3A_182, %get3A_183] : memref<4x4xf32, #tpu.memory_space<vmem>>, vector<1x1xf32>
    %add3A_185 = vector.broadcast %get3A_184 : vector<1x1xf32> to vector<1x16384xf32>
    %add3A_186 = arith.addf %add3A_181, %add3A_185 : vector<1x16384xf32>
    %get3A_187 = arith.constant 0 : index
    %get3A_188 = arith.constant 1 : index
    %get3A_189 = vector.load %arg1[%get3A_187, %get3A_188] : memref<4x4xf32, #tpu.memory_space<vmem>>, vector<1x1xf32>
    %convert_element_type3A_190 = arith.truncf %get3A_189 : vector<1x1xf32> to vector<1x1xbf16>
    %convert_element_type3A_191 = arith.extf %convert_element_type3A_190 : vector<1x1xbf16> to vector<1x1xf32>
    %mul3A_192 = vector.broadcast %convert_element_type3A_191 : vector<1x1xf32> to vector<1x16384xf32>
    %mul3A_193 = arith.mulf %convert_element_type3A_154, %mul3A_192 : vector<1x16384xf32>
    %get3A_194 = arith.constant 1 : index
    %get3A_195 = arith.constant 1 : index
    %get3A_196 = vector.load %arg1[%get3A_194, %get3A_195] : memref<4x4xf32, #tpu.memory_space<vmem>>, vector<1x1xf32>
    %convert_element_type3A_197 = arith.truncf %get3A_196 : vector<1x1xf32> to vector<1x1xbf16>
    %convert_element_type3A_198 = arith.extf %convert_element_type3A_197 : vector<1x1xbf16> to vector<1x1xf32>
    %mul3A_199 = vector.broadcast %convert_element_type3A_198 : vector<1x1xf32> to vector<1x16384xf32>
    %mul3A_200 = arith.mulf %convert_element_type3A_156, %mul3A_199 : vector<1x16384xf32>
    %add3A_201 = arith.addf %mul3A_193, %mul3A_200 : vector<1x16384xf32>
    %get3A_202 = arith.constant 2 : index
    %get3A_203 = arith.constant 1 : index
    %get3A_204 = vector.load %arg1[%get3A_202, %get3A_203] : memref<4x4xf32, #tpu.memory_space<vmem>>, vector<1x1xf32>
    %convert_element_type3A_205 = arith.truncf %get3A_204 : vector<1x1xf32> to vector<1x1xbf16>
    %convert_element_type3A_206 = arith.extf %convert_element_type3A_205 : vector<1x1xbf16> to vector<1x1xf32>
    %mul3A_207 = vector.broadcast %convert_element_type3A_206 : vector<1x1xf32> to vector<1x16384xf32>
    %mul3A_208 = arith.mulf %convert_element_type3A_158, %mul3A_207 : vector<1x16384xf32>
    %add3A_209 = arith.addf %add3A_201, %mul3A_208 : vector<1x16384xf32>
    %get3A_210 = arith.constant 3 : index
    %get3A_211 = arith.constant 1 : index
    %get3A_212 = vector.load %arg1[%get3A_210, %get3A_211] : memref<4x4xf32, #tpu.memory_space<vmem>>, vector<1x1xf32>
    %add3A_213 = vector.broadcast %get3A_212 : vector<1x1xf32> to vector<1x16384xf32>
    %add3A_214 = arith.addf %add3A_209, %add3A_213 : vector<1x16384xf32>
    %get3A_215 = arith.constant 0 : index
    %get3A_216 = arith.constant 2 : index
    %get3A_217 = vector.load %arg1[%get3A_215, %get3A_216] : memref<4x4xf32, #tpu.memory_space<vmem>>, vector<1x1xf32>
    %convert_element_type3A_218 = arith.truncf %get3A_217 : vector<1x1xf32> to vector<1x1xbf16>
    %convert_element_type3A_219 = arith.extf %convert_element_type3A_218 : vector<1x1xbf16> to vector<1x1xf32>
    %mul3A_220 = vector.broadcast %convert_element_type3A_219 : vector<1x1xf32> to vector<1x16384xf32>
    %mul3A_221 = arith.mulf %convert_element_type3A_154, %mul3A_220 : vector<1x16384xf32>
    %get3A_222 = arith.constant 1 : index
    %get3A_223 = arith.constant 2 : index
    %get3A_224 = vector.load %arg1[%get3A_222, %get3A_223] : memref<4x4xf32, #tpu.memory_space<vmem>>, vector<1x1xf32>
    %convert_element_type3A_225 = arith.truncf %get3A_224 : vector<1x1xf32> to vector<1x1xbf16>
    %convert_element_type3A_226 = arith.extf %convert_element_type3A_225 : vector<1x1xbf16> to vector<1x1xf32>
    %mul3A_227 = vector.broadcast %convert_element_type3A_226 : vector<1x1xf32> to vector<1x16384xf32>
    %mul3A_228 = arith.mulf %convert_element_type3A_156, %mul3A_227 : vector<1x16384xf32>
    %add3A_229 = arith.addf %mul3A_221, %mul3A_228 : vector<1x16384xf32>
    %get3A_230 = arith.constant 2 : index
    %get3A_231 = arith.constant 2 : index
    %get3A_232 = vector.load %arg1[%get3A_230, %get3A_231] : memref<4x4xf32, #tpu.memory_space<vmem>>, vector<1x1xf32>
    %convert_element_type3A_233 = arith.truncf %get3A_232 : vector<1x1xf32> to vector<1x1xbf16>
    %convert_element_type3A_234 = arith.extf %convert_element_type3A_233 : vector<1x1xbf16> to vector<1x1xf32>
    %mul3A_235 = vector.broadcast %convert_element_type3A_234 : vector<1x1xf32> to vector<1x16384xf32>
    %mul3A_236 = arith.mulf %convert_element_type3A_158, %mul3A_235 : vector<1x16384xf32>
    %add3A_237 = arith.addf %add3A_229, %mul3A_236 : vector<1x16384xf32>
    %get3A_238 = arith.constant 3 : index
    %get3A_239 = arith.constant 2 : index
    %get3A_240 = vector.load %arg1[%get3A_238, %get3A_239] : memref<4x4xf32, #tpu.memory_space<vmem>>, vector<1x1xf32>
    %add3A_241 = vector.broadcast %get3A_240 : vector<1x1xf32> to vector<1x16384xf32>
    %add3A_242 = arith.addf %add3A_237, %add3A_241 : vector<1x16384xf32>
    %get3A_243 = arith.constant 0 : index
    %get3A_244 = arith.constant 3 : index
    %get3A_245 = vector.load %arg1[%get3A_243, %get3A_244] : memref<4x4xf32, #tpu.memory_space<vmem>>, vector<1x1xf32>
    %mul3A_246 = vector.broadcast %get3A_245 : vector<1x1xf32> to vector<1x16384xf32>
    %mul3A_247 = arith.mulf %get3A_146, %mul3A_246 : vector<1x16384xf32>
    %get3A_248 = arith.constant 1 : index
    %get3A_249 = arith.constant 3 : index
    %get3A_250 = vector.load %arg1[%get3A_248, %get3A_249] : memref<4x4xf32, #tpu.memory_space<vmem>>, vector<1x1xf32>
    %mul3A_251 = vector.broadcast %get3A_250 : vector<1x1xf32> to vector<1x16384xf32>
    %mul3A_252 = arith.mulf %get3A_149, %mul3A_251 : vector<1x16384xf32>
    %add3A_253 = arith.addf %mul3A_247, %mul3A_252 : vector<1x16384xf32>
    %get3A_254 = arith.constant 2 : index
    %get3A_255 = arith.constant 3 : index
    %get3A_256 = vector.load %arg1[%get3A_254, %get3A_255] : memref<4x4xf32, #tpu.memory_space<vmem>>, vector<1x1xf32>
    %mul3A_257 = vector.broadcast %get3A_256 : vector<1x1xf32> to vector<1x16384xf32>
    %mul3A_258 = arith.mulf %get3A_152, %mul3A_257 : vector<1x16384xf32>
    %add3A_259 = arith.addf %add3A_253, %mul3A_258 : vector<1x16384xf32>
    %get3A_260 = arith.constant 3 : index
    %get3A_261 = arith.constant 3 : index
    %get3A_262 = vector.load %arg1[%get3A_260, %get3A_261] : memref<4x4xf32, #tpu.memory_space<vmem>>, vector<1x1xf32>
    %add3A_263 = vector.broadcast %get3A_262 : vector<1x1xf32> to vector<1x16384xf32>
    %add3A_264 = arith.addf %add3A_259, %add3A_263 : vector<1x16384xf32>
    %add3A_265 = arith.constant 9.99999974E-5 : f32
    %add3A_266 = vector.broadcast %add3A_265 : f32 to vector<1x16384xf32>
    %add3A_267 = arith.addf %add3A_264, %add3A_266 : vector<1x16384xf32>
    %div3A_268 = arith.divf %add3A_186, %add3A_267 : vector<1x16384xf32>
    %add3A_269 = arith.constant 1.000000e+00 : f32
    %add3A_270 = vector.broadcast %add3A_269 : f32 to vector<1x16384xf32>
    %add3A_271 = arith.addf %div3A_268, %add3A_270 : vector<1x16384xf32>
    %mul3A_272 = arith.constant 5.120000e+02 : f32
    %mul3A_273 = vector.broadcast %mul3A_272 : f32 to vector<1x16384xf32>
    %mul3A_274 = arith.mulf %add3A_271, %mul3A_273 : vector<1x16384xf32>
    %sub3A_275 = arith.constant 1.000000e+00 : f32
    %sub3A_276 = vector.broadcast %sub3A_275 : f32 to vector<1x16384xf32>
    %sub3A_277 = arith.subf %mul3A_274, %sub3A_276 : vector<1x16384xf32>
    %mul3A_278 = arith.constant 5.000000e-01 : f32
    %mul3A_279 = vector.broadcast %mul3A_278 : f32 to vector<1x16384xf32>
    %mul3A_280 = arith.mulf %sub3A_277, %mul3A_279 : vector<1x16384xf32>
    %div3A_281 = arith.divf %add3A_214, %add3A_267 : vector<1x16384xf32>
    %add3A_282 = arith.constant 1.000000e+00 : f32
    %add3A_283 = vector.broadcast %add3A_282 : f32 to vector<1x16384xf32>
    %add3A_284 = arith.addf %div3A_281, %add3A_283 : vector<1x16384xf32>
    %mul3A_285 = arith.constant 5.120000e+02 : f32
    %mul3A_286 = vector.broadcast %mul3A_285 : f32 to vector<1x16384xf32>
    %mul3A_287 = arith.mulf %add3A_284, %mul3A_286 : vector<1x16384xf32>
    %sub3A_288 = arith.constant 1.000000e+00 : f32
    %sub3A_289 = vector.broadcast %sub3A_288 : f32 to vector<1x16384xf32>
    %sub3A_290 = arith.subf %mul3A_287, %sub3A_289 : vector<1x16384xf32>
    %mul3A_291 = arith.constant 5.000000e-01 : f32
    %mul3A_292 = vector.broadcast %mul3A_291 : f32 to vector<1x16384xf32>
    %mul3A_293 = arith.mulf %sub3A_290, %mul3A_292 : vector<1x16384xf32>
    %get3A_294 = arith.constant 0 : index
    %get3A_295 = arith.constant 0 : index
    %get3A_296 = vector.load %arg6[%get3A_294, %get3A_295] : memref<1x16384xf32, #tpu.memory_space<vmem>>, vector<1x16384xf32>
    %mul3A_297 = arith.constant 8.000000e+00 : f32
    %mul3A_298 = vector.broadcast %mul3A_297 : f32 to vector<1x16384xf32>
    %mul3A_299 = arith.mulf %mul3A_298, %get3A_296 : vector<1x16384xf32>
    %mul3A_300 = arith.mulf %mul3A_130, %mul3A_130 : vector<1x16384xf32>
    %mul3A_301 = arith.mulf %mul3A_143, %mul3A_143 : vector<1x16384xf32>
    %add3A_302 = arith.addf %mul3A_300, %mul3A_301 : vector<1x16384xf32>
    %mul3A_303 = arith.mulf %mul3A_299, %mul3A_299 : vector<1x16384xf32>
    %add3A_304 = arith.addf %add3A_302, %mul3A_303 : vector<1x16384xf32>
    %get3A_305 = arith.constant 0 : index
    %get3A_306 = arith.constant 0 : index
    %get3A_307 = vector.load %arg5[%get3A_305, %get3A_306] : memref<1x16384xf32, #tpu.memory_space<vmem>>, vector<1x16384xf32>
    %get3A_308 = arith.constant 0 : index
    %get3A_309 = arith.constant 0 : index
    %get3A_310 = vector.load %arg5[%get3A_308, %get3A_309] : memref<1x16384xf32, #tpu.memory_space<vmem>>, vector<1x16384xf32>
    %mul3A_311 = arith.mulf %get3A_307, %get3A_310 : vector<1x16384xf32>
    %div3A_312 = arith.constant 5.000000e+02 : f32
    %div3A_313 = vector.broadcast %div3A_312 : f32 to vector<1x16384xf32>
    %div3A_314 = arith.divf %div3A_313, %add3A_119 : vector<1x16384xf32>
    %integer_pow3A = arith.mulf %div3A_314, %div3A_314 : vector<1x16384xf32>
    %mul3A_315 = arith.mulf %mul3A_311, %integer_pow3A : vector<1x16384xf32>
    %add3A_316 = arith.constant 3.000000e-01 : f32
    %add3A_317 = vector.broadcast %add3A_316 : f32 to vector<1x16384xf32>
    %add3A_318 = arith.addf %mul3A_315, %add3A_317 : vector<1x16384xf32>
    %div3A_319 = arith.constant 5.000000e+02 : f32
    %div3A_320 = vector.broadcast %div3A_319 : f32 to vector<1x16384xf32>
    %div3A_321 = arith.divf %div3A_320, %add3A_119 : vector<1x16384xf32>
    %integer_pow3A_322 = arith.mulf %div3A_321, %div3A_321 : vector<1x16384xf32>
    %mul3A_323 = arith.mulf %mul3A_311, %integer_pow3A_322 : vector<1x16384xf32>
    %add3A_324 = arith.constant 3.000000e-01 : f32
    %add3A_325 = vector.broadcast %add3A_324 : f32 to vector<1x16384xf32>
    %add3A_326 = arith.addf %mul3A_323, %add3A_325 : vector<1x16384xf32>
    %mul3A_327 = arith.mulf %add3A_318, %add3A_326 : vector<1x16384xf32>
    %div3A_328 = arith.divf %add3A_318, %mul3A_327 : vector<1x16384xf32>
    %div3A_329 = arith.divf %add3A_326, %mul3A_327 : vector<1x16384xf32>
    %swap3A = arith.constant 0 : index
    %swap3A_330 = arith.constant 0 : index
    %swap3A_331 = vector.load %arg9[%swap3A, %swap3A_330] : memref<24x16384xf32, #tpu.memory_space<vmem>>, vector<1x16384xf32>
    tpu.vector_store %arg9[%swap3A, %swap3A_330], %mul3A_130 {strides = array<i32>} : memref<24x16384xf32, #tpu.memory_space<vmem>>, vector<1x16384xf32>,
    %swap3A_332 = arith.constant 1 : index
    %swap3A_333 = arith.constant 0 : index
    %swap3A_334 = vector.load %arg9[%swap3A_332, %swap3A_333] : memref<24x16384xf32, #tpu.memory_space<vmem>>, vector<1x16384xf32>
    tpu.vector_store %arg9[%swap3A_332, %swap3A_333], %mul3A_143 {strides = array<i32>} : memref<24x16384xf32, #tpu.memory_space<vmem>>, vector<1x16384xf32>,
    %swap3A_335 = arith.constant 2 : index
    %swap3A_336 = arith.constant 0 : index
    %swap3A_337 = vector.load %arg9[%swap3A_335, %swap3A_336] : memref<24x16384xf32, #tpu.memory_space<vmem>>, vector<1x16384xf32>
    tpu.vector_store %arg9[%swap3A_335, %swap3A_336], %mul3A_299 {strides = array<i32>} : memref<24x16384xf32, #tpu.memory_space<vmem>>, vector<1x16384xf32>,
    %swap3A_338 = arith.constant 3 : index
    %swap3A_339 = arith.constant 0 : index
    %swap3A_340 = vector.load %arg9[%swap3A_338, %swap3A_339] : memref<24x16384xf32, #tpu.memory_space<vmem>>, vector<1x16384xf32>
    tpu.vector_store %arg9[%swap3A_338, %swap3A_339], %add3A_304 {strides = array<i32>} : memref<24x16384xf32, #tpu.memory_space<vmem>>, vector<1x16384xf32>,
    %broadcast_in_dim3A = arith.constant 0.000000e+00 : f32
    %broadcast_in_dim3A_341 = vector.broadcast %broadcast_in_dim3A : f32 to vector<4x16384xf32>
    %swap3A_342 = arith.constant 4 : index
    %swap3A_343 = arith.constant 0 : index
    %swap3A_344 = vector.load %arg9[%swap3A_342, %swap3A_343] : memref<24x16384xf32, #tpu.memory_space<vmem>>, vector<4x16384xf32>
    tpu.vector_store %arg9[%swap3A_342, %swap3A_343], %broadcast_in_dim3A_341 {strides = array<i32>} : memref<24x16384xf32, #tpu.memory_space<vmem>>, vector<4x16384xf32>,
    %swap3A_345 = arith.constant 8 : index
    %swap3A_346 = arith.constant 0 : index
    %swap3A_347 = vector.load %arg9[%swap3A_345, %swap3A_346] : memref<24x16384xf32, #tpu.memory_space<vmem>>, vector<1x16384xf32>
    tpu.vector_store %arg9[%swap3A_345, %swap3A_346], %add3A_94 {strides = array<i32>} : memref<24x16384xf32, #tpu.memory_space<vmem>>, vector<1x16384xf32>,
    %swap3A_348 = arith.constant 9 : index
    %swap3A_349 = arith.constant 0 : index
    %swap3A_350 = vector.load %arg9[%swap3A_348, %swap3A_349] : memref<24x16384xf32, #tpu.memory_space<vmem>>, vector<1x16384xf32>
    tpu.vector_store %arg9[%swap3A_348, %swap3A_349], %div3A_328 {strides = array<i32>} : memref<24x16384xf32, #tpu.memory_space<vmem>>, vector<1x16384xf32>,
    %swap3A_351 = arith.constant 10 : index
    %swap3A_352 = arith.constant 0 : index
    %swap3A_353 = vector.load %arg9[%swap3A_351, %swap3A_352] : memref<24x16384xf32, #tpu.memory_space<vmem>>, vector<1x16384xf32>
    tpu.vector_store %arg9[%swap3A_351, %swap3A_352], %div3A_329 {strides = array<i32>} : memref<24x16384xf32, #tpu.memory_space<vmem>>, vector<1x16384xf32>,
    %get3A_354 = arith.constant 0 : index
    %get3A_355 = arith.constant 0 : index
    %get3A_356 = vector.load %arg4[%get3A_354, %get3A_355] : memref<1x16384xf32, #tpu.memory_space<vmem>>, vector<1x16384xf32>
    %swap3A_357 = arith.constant 11 : index
    %swap3A_358 = arith.constant 0 : index
    %swap3A_359 = vector.load %arg9[%swap3A_357, %swap3A_358] : memref<24x16384xf32, #tpu.memory_space<vmem>>, vector<1x16384xf32>
    tpu.vector_store %arg9[%swap3A_357, %swap3A_358], %get3A_356 {strides = array<i32>} : memref<24x16384xf32, #tpu.memory_space<vmem>>, vector<1x16384xf32>,
    %swap3A_360 = arith.constant 12 : index
    %swap3A_361 = arith.constant 0 : index
    %swap3A_362 = vector.load %arg9[%swap3A_360, %swap3A_361] : memref<24x16384xf32, #tpu.memory_space<vmem>>, vector<1x16384xf32>
    tpu.vector_store %arg9[%swap3A_360, %swap3A_361], %mul3A_280 {strides = array<i32>} : memref<24x16384xf32, #tpu.memory_space<vmem>>, vector<1x16384xf32>,
    %swap3A_363 = arith.constant 13 : index
    %swap3A_364 = arith.constant 0 : index
    %swap3A_365 = vector.load %arg9[%swap3A_363, %swap3A_364] : memref<24x16384xf32, #tpu.memory_space<vmem>>, vector<1x16384xf32>
    tpu.vector_store %arg9[%swap3A_363, %swap3A_364], %mul3A_293 {strides = array<i32>} : memref<24x16384xf32, #tpu.memory_space<vmem>>, vector<1x16384xf32>,
    %swap3A_366 = arith.constant 14 : index
    %swap3A_367 = arith.constant 0 : index
    %swap3A_368 = vector.load %arg9[%swap3A_366, %swap3A_367] : memref<24x16384xf32, #tpu.memory_space<vmem>>, vector<1x16384xf32>
    tpu.vector_store %arg9[%swap3A_366, %swap3A_367], %add3A_242 {strides = array<i32>} : memref<24x16384xf32, #tpu.memory_space<vmem>>, vector<1x16384xf32>,
    %swap3A_369 = arith.constant 15 : index
    %swap3A_370 = arith.constant 0 : index
    %swap3A_371 = vector.load %arg9[%swap3A_369, %swap3A_370] : memref<24x16384xf32, #tpu.memory_space<vmem>>, vector<1x16384xf32>
    tpu.vector_store %arg9[%swap3A_369, %swap3A_370], %mul3A_130 {strides = array<i32>} : memref<24x16384xf32, #tpu.memory_space<vmem>>, vector<1x16384xf32>,
    %swap3A_372 = arith.constant 16 : index
    %swap3A_373 = arith.constant 0 : index
    %swap3A_374 = vector.load %arg9[%swap3A_372, %swap3A_373] : memref<24x16384xf32, #tpu.memory_space<vmem>>, vector<1x16384xf32>
    tpu.vector_store %arg9[%swap3A_372, %swap3A_373], %mul3A_143 {strides = array<i32>} : memref<24x16384xf32, #tpu.memory_space<vmem>>, vector<1x16384xf32>,
    %broadcast_in_dim3A_375 = arith.constant 0.000000e+00 : f32
    %broadcast_in_dim3A_376 = vector.broadcast %broadcast_in_dim3A_375 : f32 to vector<7x16384xf32>
    %swap3A_377 = arith.constant 17 : index
    %swap3A_378 = arith.constant 0 : index
    %swap3A_379 = vector.load %arg9[%swap3A_377, %swap3A_378] : memref<24x16384xf32, #tpu.memory_space<vmem>>, vector<7x16384xf32>
    tpu.vector_store %arg9[%swap3A_377, %swap3A_378], %broadcast_in_dim3A_376 {strides = array<i32>} : memref<24x16384xf32, #tpu.memory_space<vmem>>, vector<7x16384xf32>,
    %get3A_380 = arith.constant 0 : index
    %get3A_381 = arith.constant 0 : index
    %get3A_382 = vector.load %arg7[%get3A_380, %get3A_381] : memref<4096x2xf32, #tpu.memory_space<vmem>>, vector<4096x1xf32>
    %get3A_383 = arith.constant 0 : index
    %get3A_384 = arith.constant 1 : index
    %get3A_385 = vector.load %arg7[%get3A_383, %get3A_384] : memref<4096x2xf32, #tpu.memory_space<vmem>>, vector<4096x1xf32>
    %get3A_386 = arith.constant 0 : index
    %get3A_387 = arith.constant 0 : index
    %get3A_388 = vector.load %arg8[%get3A_386, %get3A_387] : memref<4096x1xf32, #tpu.memory_space<vmem>>, vector<4096x1xf32>
    %mul3A_389 = arith.constant 8.000000e+00 : f32
    %mul3A_390 = vector.broadcast %mul3A_389 : f32 to vector<4096x1xf32>
    %mul3A_391 = arith.mulf %mul3A_390, %get3A_388 : vector<4096x1xf32>
    %swap3A_392 = arith.constant 0 : index
    %swap3A_393 = arith.constant 0 : index
    %swap3A_394 = vector.load %arg10[%swap3A_392, %swap3A_393] : memref<4096x8xf32, #tpu.memory_space<vmem>>, vector<4096x1xf32>
    tpu.vector_store %arg10[%swap3A_392, %swap3A_393], %get3A_382 {strides = array<i32>} : memref<4096x8xf32, #tpu.memory_space<vmem>>, vector<4096x1xf32>,
    %swap3A_395 = arith.constant 0 : index
    %swap3A_396 = arith.constant 1 : index
    %swap3A_397 = vector.load %arg10[%swap3A_395, %swap3A_396] : memref<4096x8xf32, #tpu.memory_space<vmem>>, vector<4096x1xf32>
    tpu.vector_store %arg10[%swap3A_395, %swap3A_396], %get3A_385 {strides = array<i32>} : memref<4096x8xf32, #tpu.memory_space<vmem>>, vector<4096x1xf32>,
    %swap3A_398 = arith.constant 0 : index
    %swap3A_399 = arith.constant 2 : index
    %swap3A_400 = vector.load %arg10[%swap3A_398, %swap3A_399] : memref<4096x8xf32, #tpu.memory_space<vmem>>, vector<4096x1xf32>
    tpu.vector_store %arg10[%swap3A_398, %swap3A_399], %mul3A_391 {strides = array<i32>} : memref<4096x8xf32, #tpu.memory_space<vmem>>, vector<4096x1xf32>,
    %mul3A_401 = arith.mulf %get3A_382, %get3A_382 : vector<4096x1xf32>
    %mul3A_402 = arith.mulf %get3A_385, %get3A_385 : vector<4096x1xf32>
    %add3A_403 = arith.addf %mul3A_401, %mul3A_402 : vector<4096x1xf32>
    %mul3A_404 = arith.mulf %mul3A_391, %mul3A_391 : vector<4096x1xf32>
    %add3A_405 = arith.addf %add3A_403, %mul3A_404 : vector<4096x1xf32>
    %swap3A_406 = arith.constant 0 : index
    %swap3A_407 = arith.constant 3 : index
    %swap3A_408 = vector.load %arg10[%swap3A_406, %swap3A_407] : memref<4096x8xf32, #tpu.memory_space<vmem>>, vector<4096x1xf32>
    tpu.vector_store %arg10[%swap3A_406, %swap3A_407], %add3A_405 {strides = array<i32>} : memref<4096x8xf32, #tpu.memory_space<vmem>>, vector<4096x1xf32>,
    %broadcast_in_dim3A_409 = arith.constant 0.000000e+00 : f32
    %broadcast_in_dim3A_410 = vector.broadcast %broadcast_in_dim3A_409 : f32 to vector<4096x4xf32>
    %swap3A_411 = arith.constant 0 : index
    %swap3A_412 = arith.constant 4 : index
    %swap3A_413 = vector.load %arg10[%swap3A_411, %swap3A_412] : memref<4096x8xf32, #tpu.memory_space<vmem>>, vector<4096x4xf32>
    tpu.vector_store %arg10[%swap3A_411, %swap3A_412], %broadcast_in_dim3A_410 {strides = array<i32>} : memref<4096x8xf32, #tpu.memory_space<vmem>>, vector<4096x4xf32>,
    return
  }
}

module attributes {stable_mosaic.version = 14 : i64} {
  func.func @_knn_body(%arg0: i32, %arg1: i32, %arg2: memref<8x4096xf32, #tpu.memory_space<vmem>>, %arg3: memref<512x8xf32, #tpu.memory_space<vmem>>, %arg4: memref<512x8xi32, #tpu.memory_space<vmem>>, %arg5: memref<4x512x8xf32, #tpu.memory_space<vmem>>, %arg6: memref<4x512x8xi32, #tpu.memory_space<vmem>>) attributes {dimension_semantics = [#tpu.dimension_semantics<arbitrary>, #tpu.dimension_semantics<arbitrary>], iteration_bounds = array<i64: 8, 4>, scalar_prefetch = 0 : i64, scratch_operands = 2 : i64, tpu.core_type = #tpu.core_type<tc>, window_params = [{transform_indices = @transform_0, window_bounds = array<i64: 8, 4096>}, {transform_indices = @transform_1, window_bounds = array<i64: 512, 8>}, {transform_indices = @transform_2, window_bounds = array<i64: 512, 8>}]} {
    %get3A = arith.constant 0 : index
    %get3A_0 = arith.constant 0 : index
    %get3A_1 = vector.load %arg2[%get3A, %get3A_0] : memref<8x4096xf32, #tpu.memory_space<vmem>>, vector<1x4096xf32>
    %get3A_2 = arith.constant 1 : index
    %get3A_3 = arith.constant 0 : index
    %get3A_4 = vector.load %arg2[%get3A_2, %get3A_3] : memref<8x4096xf32, #tpu.memory_space<vmem>>, vector<1x4096xf32>
    %get3A_5 = arith.constant 2 : index
    %get3A_6 = arith.constant 0 : index
    %get3A_7 = vector.load %arg2[%get3A_5, %get3A_6] : memref<8x4096xf32, #tpu.memory_space<vmem>>, vector<1x4096xf32>
    %get3A_8 = arith.constant 3 : index
    %get3A_9 = arith.constant 0 : index
    %get3A_10 = vector.load %arg2[%get3A_8, %get3A_9] : memref<8x4096xf32, #tpu.memory_space<vmem>>, vector<1x4096xf32>
    %get3A_11 = arith.constant 0 : index
    %get3A_12 = arith.constant 0 : index
    %get3A_13 = vector.load %arg3[%get3A_11, %get3A_12] : memref<512x8xf32, #tpu.memory_space<vmem>>, vector<512x1xf32>
    %get3A_14 = arith.constant 0 : index
    %get3A_15 = arith.constant 1 : index
    %get3A_16 = vector.load %arg3[%get3A_14, %get3A_15] : memref<512x8xf32, #tpu.memory_space<vmem>>, vector<512x1xf32>
    %get3A_17 = arith.constant 0 : index
    %get3A_18 = arith.constant 2 : index
    %get3A_19 = vector.load %arg3[%get3A_17, %get3A_18] : memref<512x8xf32, #tpu.memory_space<vmem>>, vector<512x1xf32>
    %get3A_20 = arith.constant 0 : index
    %get3A_21 = arith.constant 3 : index
    %get3A_22 = vector.load %arg3[%get3A_20, %get3A_21] : memref<512x8xf32, #tpu.memory_space<vmem>>, vector<512x1xf32>
    %convert_element_type3A = arith.truncf %get3A_13 : vector<512x1xf32> to vector<512x1xbf16>
    %convert_element_type3A_23 = arith.extf %convert_element_type3A : vector<512x1xbf16> to vector<512x1xf32>
    %convert_element_type3A_24 = arith.truncf %get3A_1 : vector<1x4096xf32> to vector<1x4096xbf16>
    %convert_element_type3A_25 = arith.extf %convert_element_type3A_24 : vector<1x4096xbf16> to vector<1x4096xf32>
    %mul3A = vector.broadcast %convert_element_type3A_23 : vector<512x1xf32> to vector<512x4096xf32>
    %mul3A_26 = vector.broadcast %convert_element_type3A_25 : vector<1x4096xf32> to vector<512x4096xf32>
    %mul3A_27 = arith.mulf %mul3A, %mul3A_26 : vector<512x4096xf32>
    %convert_element_type3A_28 = arith.truncf %get3A_16 : vector<512x1xf32> to vector<512x1xbf16>
    %convert_element_type3A_29 = arith.extf %convert_element_type3A_28 : vector<512x1xbf16> to vector<512x1xf32>
    %convert_element_type3A_30 = arith.truncf %get3A_4 : vector<1x4096xf32> to vector<1x4096xbf16>
    %convert_element_type3A_31 = arith.extf %convert_element_type3A_30 : vector<1x4096xbf16> to vector<1x4096xf32>
    %mul3A_32 = vector.broadcast %convert_element_type3A_29 : vector<512x1xf32> to vector<512x4096xf32>
    %mul3A_33 = vector.broadcast %convert_element_type3A_31 : vector<1x4096xf32> to vector<512x4096xf32>
    %mul3A_34 = arith.mulf %mul3A_32, %mul3A_33 : vector<512x4096xf32>
    %add3A = arith.addf %mul3A_27, %mul3A_34 : vector<512x4096xf32>
    %convert_element_type3A_35 = arith.truncf %get3A_19 : vector<512x1xf32> to vector<512x1xbf16>
    %convert_element_type3A_36 = arith.extf %convert_element_type3A_35 : vector<512x1xbf16> to vector<512x1xf32>
    %convert_element_type3A_37 = arith.truncf %get3A_7 : vector<1x4096xf32> to vector<1x4096xbf16>
    %convert_element_type3A_38 = arith.extf %convert_element_type3A_37 : vector<1x4096xbf16> to vector<1x4096xf32>
    %mul3A_39 = vector.broadcast %convert_element_type3A_36 : vector<512x1xf32> to vector<512x4096xf32>
    %mul3A_40 = vector.broadcast %convert_element_type3A_38 : vector<1x4096xf32> to vector<512x4096xf32>
    %mul3A_41 = arith.mulf %mul3A_39, %mul3A_40 : vector<512x4096xf32>
    %add3A_42 = arith.addf %add3A, %mul3A_41 : vector<512x4096xf32>
    %add3A_43 = vector.broadcast %get3A_22 : vector<512x1xf32> to vector<512x4096xf32>
    %add3A_44 = vector.broadcast %get3A_10 : vector<1x4096xf32> to vector<512x4096xf32>
    %add3A_45 = arith.addf %add3A_43, %add3A_44 : vector<512x4096xf32>
    %mul3A_46 = arith.constant 2.000000e+00 : f32
    %mul3A_47 = vector.broadcast %mul3A_46 : f32 to vector<512x4096xf32>
    %mul3A_48 = arith.mulf %mul3A_47, %add3A_42 : vector<512x4096xf32>
    %sub3A = arith.subf %add3A_45, %mul3A_48 : vector<512x4096xf32>
    %reduce_min3A = vector.shape_cast %sub3A : vector<512x4096xf32> to vector<1x512x4096xf32>
    %reduce_min3A_49 = arith.constant dense<0x7F800000> : vector<1xf32>
    %reduce_min3A_50 = vector.multi_reduction <minimumf>, %reduce_min3A, %reduce_min3A_49 [1, 2] : vector<1x512x4096xf32> to vector<1xf32>
    %reduce_min3A_51 = vector.shape_cast %reduce_min3A_50 : vector<1xf32> to vector<1x1x1xf32>
    %reduce_min3A_52 = vector.extract %reduce_min3A_51[0, 0, 0] : f32 from vector<1x1x1xf32>
    %le3A = arith.constant 1.600000e+01 : f32
    %le3A_53 = arith.cmpf ole, %reduce_min3A_52, %le3A : f32
    %convert_element_type3A_54 = arith.extui %le3A_53 : i1 to i32
    %cond3A = arith.constant 0 : i32
    %cond3A_55 = arith.cmpi ne, %convert_element_type3A_54, %cond3A : i32
    scf.if %cond3A_55 {
      %iota3A = tpu.iota {dimensions = array<i32: 1>} : vector<512x4096xi32>
      %mul3A_69 = arith.constant 4096 : i32
      %mul3A_70 = arith.muli %arg1, %mul3A_69 : i32
      %reduce_min3A_71 = arith.constant dense<0x7F800000> : vector<512xf32>
      %reduce_min3A_72 = vector.multi_reduction <minimumf>, %sub3A, %reduce_min3A_71 [1] : vector<512x4096xf32> to vector<512xf32>
      %broadcast_in_dim3A = vector.shape_cast %reduce_min3A_72 : vector<512xf32> to vector<512x1xf32>
      %eq3A_73 = vector.broadcast %broadcast_in_dim3A : vector<512x1xf32> to vector<512x4096xf32>
      %eq3A_74 = arith.cmpf oeq, %sub3A, %eq3A_73 : vector<512x4096xf32>
      %jit3A = arith.constant 1073741824 : i32
      %broadcast_in_dim3A_75 = vector.broadcast %jit3A : i32 to vector<512x4096xi32>
      %select_n3A = arith.select %eq3A_74, %iota3A, %broadcast_in_dim3A_75 : vector<512x4096xi1>, vector<512x4096xi32>
      %reduce_min3A_76 = arith.constant dense<2147483647> : vector<512xi32>
      %reduce_min3A_77 = vector.multi_reduction <minsi>, %select_n3A, %reduce_min3A_76 [1] : vector<512x4096xi32> to vector<512xi32>
      %broadcast_in_dim3A_78 = vector.shape_cast %reduce_min3A_77 : vector<512xi32> to vector<512x1xi32>
      %add3A_79 = vector.broadcast %mul3A_70 : i32 to vector<512x1xi32>
      %add3A_80 = arith.addi %broadcast_in_dim3A_78, %add3A_79 : vector<512x1xi32>
      %eq3A_81 = vector.broadcast %broadcast_in_dim3A_78 : vector<512x1xi32> to vector<512x4096xi32>
      %eq3A_82 = arith.cmpi eq, %iota3A, %eq3A_81 : vector<512x4096xi32>
      %jit3A_83 = arith.constant 0x7F800000 : f32
      %broadcast_in_dim3A_84 = vector.broadcast %jit3A_83 : f32 to vector<512x4096xf32>
      %select_n3A_85 = arith.select %eq3A_82, %broadcast_in_dim3A_84, %sub3A : vector<512x4096xi1>, vector<512x4096xf32>
      %reduce_min3A_86 = arith.constant dense<0x7F800000> : vector<512xf32>
      %reduce_min3A_87 = vector.multi_reduction <minimumf>, %select_n3A_85, %reduce_min3A_86 [1] : vector<512x4096xf32> to vector<512xf32>
      %broadcast_in_dim3A_88 = vector.shape_cast %reduce_min3A_87 : vector<512xf32> to vector<512x1xf32>
      %eq3A_89 = vector.broadcast %broadcast_in_dim3A_88 : vector<512x1xf32> to vector<512x4096xf32>
      %eq3A_90 = arith.cmpf oeq, %select_n3A_85, %eq3A_89 : vector<512x4096xf32>
      %jit3A_91 = arith.constant 1073741824 : i32
      %broadcast_in_dim3A_92 = vector.broadcast %jit3A_91 : i32 to vector<512x4096xi32>
      %select_n3A_93 = arith.select %eq3A_90, %iota3A, %broadcast_in_dim3A_92 : vector<512x4096xi1>, vector<512x4096xi32>
      %reduce_min3A_94 = arith.constant dense<2147483647> : vector<512xi32>
      %reduce_min3A_95 = vector.multi_reduction <minsi>, %select_n3A_93, %reduce_min3A_94 [1] : vector<512x4096xi32> to vector<512xi32>
      %broadcast_in_dim3A_96 = vector.shape_cast %reduce_min3A_95 : vector<512xi32> to vector<512x1xi32>
      %add3A_97 = vector.broadcast %mul3A_70 : i32 to vector<512x1xi32>
      %add3A_98 = arith.addi %broadcast_in_dim3A_96, %add3A_97 : vector<512x1xi32>
      %eq3A_99 = vector.broadcast %broadcast_in_dim3A_96 : vector<512x1xi32> to vector<512x4096xi32>
      %eq3A_100 = arith.cmpi eq, %iota3A, %eq3A_99 : vector<512x4096xi32>
      %jit3A_101 = arith.constant 0x7F800000 : f32
      %broadcast_in_dim3A_102 = vector.broadcast %jit3A_101 : f32 to vector<512x4096xf32>
      %select_n3A_103 = arith.select %eq3A_100, %broadcast_in_dim3A_102, %select_n3A_85 : vector<512x4096xi1>, vector<512x4096xf32>
      %reduce_min3A_104 = arith.constant dense<0x7F800000> : vector<512xf32>
      %reduce_min3A_105 = vector.multi_reduction <minimumf>, %select_n3A_103, %reduce_min3A_104 [1] : vector<512x4096xf32> to vector<512xf32>
      %broadcast_in_dim3A_106 = vector.shape_cast %reduce_min3A_105 : vector<512xf32> to vector<512x1xf32>
      %eq3A_107 = vector.broadcast %broadcast_in_dim3A_106 : vector<512x1xf32> to vector<512x4096xf32>
      %eq3A_108 = arith.cmpf oeq, %select_n3A_103, %eq3A_107 : vector<512x4096xf32>
      %jit3A_109 = arith.constant 1073741824 : i32
      %broadcast_in_dim3A_110 = vector.broadcast %jit3A_109 : i32 to vector<512x4096xi32>
      %select_n3A_111 = arith.select %eq3A_108, %iota3A, %broadcast_in_dim3A_110 : vector<512x4096xi1>, vector<512x4096xi32>
      %reduce_min3A_112 = arith.constant dense<2147483647> : vector<512xi32>
      %reduce_min3A_113 = vector.multi_reduction <minsi>, %select_n3A_111, %reduce_min3A_112 [1] : vector<512x4096xi32> to vector<512xi32>
      %broadcast_in_dim3A_114 = vector.shape_cast %reduce_min3A_113 : vector<512xi32> to vector<512x1xi32>
      %add3A_115 = vector.broadcast %mul3A_70 : i32 to vector<512x1xi32>
      %add3A_116 = arith.addi %broadcast_in_dim3A_114, %add3A_115 : vector<512x1xi32>
      %eq3A_117 = vector.broadcast %broadcast_in_dim3A_114 : vector<512x1xi32> to vector<512x4096xi32>
      %eq3A_118 = arith.cmpi eq, %iota3A, %eq3A_117 : vector<512x4096xi32>
      %jit3A_119 = arith.constant 0x7F800000 : f32
      %broadcast_in_dim3A_120 = vector.broadcast %jit3A_119 : f32 to vector<512x4096xf32>
      %select_n3A_121 = arith.select %eq3A_118, %broadcast_in_dim3A_120, %select_n3A_103 : vector<512x4096xi1>, vector<512x4096xf32>
      %reduce_min3A_122 = arith.constant dense<0x7F800000> : vector<512xf32>
      %reduce_min3A_123 = vector.multi_reduction <minimumf>, %select_n3A_121, %reduce_min3A_122 [1] : vector<512x4096xf32> to vector<512xf32>
      %broadcast_in_dim3A_124 = vector.shape_cast %reduce_min3A_123 : vector<512xf32> to vector<512x1xf32>
      %eq3A_125 = vector.broadcast %broadcast_in_dim3A_124 : vector<512x1xf32> to vector<512x4096xf32>
      %eq3A_126 = arith.cmpf oeq, %select_n3A_121, %eq3A_125 : vector<512x4096xf32>
      %jit3A_127 = arith.constant 1073741824 : i32
      %broadcast_in_dim3A_128 = vector.broadcast %jit3A_127 : i32 to vector<512x4096xi32>
      %select_n3A_129 = arith.select %eq3A_126, %iota3A, %broadcast_in_dim3A_128 : vector<512x4096xi1>, vector<512x4096xi32>
      %reduce_min3A_130 = arith.constant dense<2147483647> : vector<512xi32>
      %reduce_min3A_131 = vector.multi_reduction <minsi>, %select_n3A_129, %reduce_min3A_130 [1] : vector<512x4096xi32> to vector<512xi32>
      %broadcast_in_dim3A_132 = vector.shape_cast %reduce_min3A_131 : vector<512xi32> to vector<512x1xi32>
      %add3A_133 = vector.broadcast %mul3A_70 : i32 to vector<512x1xi32>
      %add3A_134 = arith.addi %broadcast_in_dim3A_132, %add3A_133 : vector<512x1xi32>
      %eq3A_135 = vector.broadcast %broadcast_in_dim3A_132 : vector<512x1xi32> to vector<512x4096xi32>
      %eq3A_136 = arith.cmpi eq, %iota3A, %eq3A_135 : vector<512x4096xi32>
      %jit3A_137 = arith.constant 0x7F800000 : f32
      %broadcast_in_dim3A_138 = vector.broadcast %jit3A_137 : f32 to vector<512x4096xf32>
      %select_n3A_139 = arith.select %eq3A_136, %broadcast_in_dim3A_138, %select_n3A_121 : vector<512x4096xi1>, vector<512x4096xf32>
      %reduce_min3A_140 = arith.constant dense<0x7F800000> : vector<512xf32>
      %reduce_min3A_141 = vector.multi_reduction <minimumf>, %select_n3A_139, %reduce_min3A_140 [1] : vector<512x4096xf32> to vector<512xf32>
      %broadcast_in_dim3A_142 = vector.shape_cast %reduce_min3A_141 : vector<512xf32> to vector<512x1xf32>
      %eq3A_143 = vector.broadcast %broadcast_in_dim3A_142 : vector<512x1xf32> to vector<512x4096xf32>
      %eq3A_144 = arith.cmpf oeq, %select_n3A_139, %eq3A_143 : vector<512x4096xf32>
      %jit3A_145 = arith.constant 1073741824 : i32
      %broadcast_in_dim3A_146 = vector.broadcast %jit3A_145 : i32 to vector<512x4096xi32>
      %select_n3A_147 = arith.select %eq3A_144, %iota3A, %broadcast_in_dim3A_146 : vector<512x4096xi1>, vector<512x4096xi32>
      %reduce_min3A_148 = arith.constant dense<2147483647> : vector<512xi32>
      %reduce_min3A_149 = vector.multi_reduction <minsi>, %select_n3A_147, %reduce_min3A_148 [1] : vector<512x4096xi32> to vector<512xi32>
      %broadcast_in_dim3A_150 = vector.shape_cast %reduce_min3A_149 : vector<512xi32> to vector<512x1xi32>
      %add3A_151 = vector.broadcast %mul3A_70 : i32 to vector<512x1xi32>
      %add3A_152 = arith.addi %broadcast_in_dim3A_150, %add3A_151 : vector<512x1xi32>
      %eq3A_153 = vector.broadcast %broadcast_in_dim3A_150 : vector<512x1xi32> to vector<512x4096xi32>
      %eq3A_154 = arith.cmpi eq, %iota3A, %eq3A_153 : vector<512x4096xi32>
      %jit3A_155 = arith.constant 0x7F800000 : f32
      %broadcast_in_dim3A_156 = vector.broadcast %jit3A_155 : f32 to vector<512x4096xf32>
      %select_n3A_157 = arith.select %eq3A_154, %broadcast_in_dim3A_156, %select_n3A_139 : vector<512x4096xi1>, vector<512x4096xf32>
      %reduce_min3A_158 = arith.constant dense<0x7F800000> : vector<512xf32>
      %reduce_min3A_159 = vector.multi_reduction <minimumf>, %select_n3A_157, %reduce_min3A_158 [1] : vector<512x4096xf32> to vector<512xf32>
      %broadcast_in_dim3A_160 = vector.shape_cast %reduce_min3A_159 : vector<512xf32> to vector<512x1xf32>
      %eq3A_161 = vector.broadcast %broadcast_in_dim3A_160 : vector<512x1xf32> to vector<512x4096xf32>
      %eq3A_162 = arith.cmpf oeq, %select_n3A_157, %eq3A_161 : vector<512x4096xf32>
      %jit3A_163 = arith.constant 1073741824 : i32
      %broadcast_in_dim3A_164 = vector.broadcast %jit3A_163 : i32 to vector<512x4096xi32>
      %select_n3A_165 = arith.select %eq3A_162, %iota3A, %broadcast_in_dim3A_164 : vector<512x4096xi1>, vector<512x4096xi32>
      %reduce_min3A_166 = arith.constant dense<2147483647> : vector<512xi32>
      %reduce_min3A_167 = vector.multi_reduction <minsi>, %select_n3A_165, %reduce_min3A_166 [1] : vector<512x4096xi32> to vector<512xi32>
      %broadcast_in_dim3A_168 = vector.shape_cast %reduce_min3A_167 : vector<512xi32> to vector<512x1xi32>
      %add3A_169 = vector.broadcast %mul3A_70 : i32 to vector<512x1xi32>
      %add3A_170 = arith.addi %broadcast_in_dim3A_168, %add3A_169 : vector<512x1xi32>
      %eq3A_171 = vector.broadcast %broadcast_in_dim3A_168 : vector<512x1xi32> to vector<512x4096xi32>
      %eq3A_172 = arith.cmpi eq, %iota3A, %eq3A_171 : vector<512x4096xi32>
      %jit3A_173 = arith.constant 0x7F800000 : f32
      %broadcast_in_dim3A_174 = vector.broadcast %jit3A_173 : f32 to vector<512x4096xf32>
      %select_n3A_175 = arith.select %eq3A_172, %broadcast_in_dim3A_174, %select_n3A_157 : vector<512x4096xi1>, vector<512x4096xf32>
      %reduce_min3A_176 = arith.constant dense<0x7F800000> : vector<512xf32>
      %reduce_min3A_177 = vector.multi_reduction <minimumf>, %select_n3A_175, %reduce_min3A_176 [1] : vector<512x4096xf32> to vector<512xf32>
      %broadcast_in_dim3A_178 = vector.shape_cast %reduce_min3A_177 : vector<512xf32> to vector<512x1xf32>
      %eq3A_179 = vector.broadcast %broadcast_in_dim3A_178 : vector<512x1xf32> to vector<512x4096xf32>
      %eq3A_180 = arith.cmpf oeq, %select_n3A_175, %eq3A_179 : vector<512x4096xf32>
      %jit3A_181 = arith.constant 1073741824 : i32
      %broadcast_in_dim3A_182 = vector.broadcast %jit3A_181 : i32 to vector<512x4096xi32>
      %select_n3A_183 = arith.select %eq3A_180, %iota3A, %broadcast_in_dim3A_182 : vector<512x4096xi1>, vector<512x4096xi32>
      %reduce_min3A_184 = arith.constant dense<2147483647> : vector<512xi32>
      %reduce_min3A_185 = vector.multi_reduction <minsi>, %select_n3A_183, %reduce_min3A_184 [1] : vector<512x4096xi32> to vector<512xi32>
      %broadcast_in_dim3A_186 = vector.shape_cast %reduce_min3A_185 : vector<512xi32> to vector<512x1xi32>
      %add3A_187 = vector.broadcast %mul3A_70 : i32 to vector<512x1xi32>
      %add3A_188 = arith.addi %broadcast_in_dim3A_186, %add3A_187 : vector<512x1xi32>
      %eq3A_189 = vector.broadcast %broadcast_in_dim3A_186 : vector<512x1xi32> to vector<512x4096xi32>
      %eq3A_190 = arith.cmpi eq, %iota3A, %eq3A_189 : vector<512x4096xi32>
      %jit3A_191 = arith.constant 0x7F800000 : f32
      %broadcast_in_dim3A_192 = vector.broadcast %jit3A_191 : f32 to vector<512x4096xf32>
      %select_n3A_193 = arith.select %eq3A_190, %broadcast_in_dim3A_192, %select_n3A_175 : vector<512x4096xi1>, vector<512x4096xf32>
      %reduce_min3A_194 = arith.constant dense<0x7F800000> : vector<512xf32>
      %reduce_min3A_195 = vector.multi_reduction <minimumf>, %select_n3A_193, %reduce_min3A_194 [1] : vector<512x4096xf32> to vector<512xf32>
      %broadcast_in_dim3A_196 = vector.shape_cast %reduce_min3A_195 : vector<512xf32> to vector<512x1xf32>
      %eq3A_197 = vector.broadcast %broadcast_in_dim3A_196 : vector<512x1xf32> to vector<512x4096xf32>
      %eq3A_198 = arith.cmpf oeq, %select_n3A_193, %eq3A_197 : vector<512x4096xf32>
      %jit3A_199 = arith.constant 1073741824 : i32
      %broadcast_in_dim3A_200 = vector.broadcast %jit3A_199 : i32 to vector<512x4096xi32>
      %select_n3A_201 = arith.select %eq3A_198, %iota3A, %broadcast_in_dim3A_200 : vector<512x4096xi1>, vector<512x4096xi32>
      %reduce_min3A_202 = arith.constant dense<2147483647> : vector<512xi32>
      %reduce_min3A_203 = vector.multi_reduction <minsi>, %select_n3A_201, %reduce_min3A_202 [1] : vector<512x4096xi32> to vector<512xi32>
      %broadcast_in_dim3A_204 = vector.shape_cast %reduce_min3A_203 : vector<512xi32> to vector<512x1xi32>
      %add3A_205 = vector.broadcast %mul3A_70 : i32 to vector<512x1xi32>
      %add3A_206 = arith.addi %broadcast_in_dim3A_204, %add3A_205 : vector<512x1xi32>
      %concatenate3A = tpu.concatenate %broadcast_in_dim3A, %broadcast_in_dim3A_88, %broadcast_in_dim3A_106, %broadcast_in_dim3A_124, %broadcast_in_dim3A_142, %broadcast_in_dim3A_160, %broadcast_in_dim3A_178, %broadcast_in_dim3A_196 in 1 : vector<512x1xf32>, vector<512x1xf32>, vector<512x1xf32>, vector<512x1xf32>, vector<512x1xf32>, vector<512x1xf32>, vector<512x1xf32>, vector<512x1xf32> -> vector<512x8xf32>
      %swap3A = arith.index_cast %arg1 : i32 to index
      %swap3A_207 = arith.constant 0 : index
      %swap3A_208 = arith.constant 0 : index
      %swap3A_209 = vector.load %arg5[%swap3A, %swap3A_207, %swap3A_208] : memref<4x512x8xf32, #tpu.memory_space<vmem>>, vector<1x512x8xf32>
      %swap3A_210 = vector.shape_cast %swap3A_209 : vector<1x512x8xf32> to vector<512x8xf32>
      %swap3A_211 = vector.shape_cast %concatenate3A : vector<512x8xf32> to vector<1x512x8xf32>
      tpu.vector_store %arg5[%swap3A, %swap3A_207, %swap3A_208], %swap3A_211 {strides = array<i32>} : memref<4x512x8xf32, #tpu.memory_space<vmem>>, vector<1x512x8xf32>,
      %concatenate3A_212 = tpu.concatenate %add3A_80, %add3A_98, %add3A_116, %add3A_134, %add3A_152, %add3A_170, %add3A_188, %add3A_206 in 1 : vector<512x1xi32>, vector<512x1xi32>, vector<512x1xi32>, vector<512x1xi32>, vector<512x1xi32>, vector<512x1xi32>, vector<512x1xi32>, vector<512x1xi32> -> vector<512x8xi32>
      %swap3A_213 = arith.index_cast %arg1 : i32 to index
      %swap3A_214 = arith.constant 0 : index
      %swap3A_215 = arith.constant 0 : index
      %swap3A_216 = vector.load %arg6[%swap3A_213, %swap3A_214, %swap3A_215] : memref<4x512x8xi32, #tpu.memory_space<vmem>>, vector<1x512x8xi32>
      %swap3A_217 = vector.shape_cast %swap3A_216 : vector<1x512x8xi32> to vector<512x8xi32>
      %swap3A_218 = vector.shape_cast %concatenate3A_212 : vector<512x8xi32> to vector<1x512x8xi32>
      tpu.vector_store %arg6[%swap3A_213, %swap3A_214, %swap3A_215], %swap3A_218 {strides = array<i32>} : memref<4x512x8xi32, #tpu.memory_space<vmem>>, vector<1x512x8xi32>,
    } else {
    }
    %reduce_min3A_56 = vector.shape_cast %sub3A : vector<512x4096xf32> to vector<1x512x4096xf32>
    %reduce_min3A_57 = arith.constant dense<0x7F800000> : vector<1xf32>
    %reduce_min3A_58 = vector.multi_reduction <minimumf>, %reduce_min3A_56, %reduce_min3A_57 [1, 2] : vector<1x512x4096xf32> to vector<1xf32>
    %reduce_min3A_59 = vector.shape_cast %reduce_min3A_58 : vector<1xf32> to vector<1x1x1xf32>
    %reduce_min3A_60 = vector.extract %reduce_min3A_59[0, 0, 0] : f32 from vector<1x1x1xf32>
    %gt3A = arith.constant 1.600000e+01 : f32
    %gt3A_61 = arith.cmpf ogt, %reduce_min3A_60, %gt3A : f32
    %convert_element_type3A_62 = arith.extui %gt3A_61 : i1 to i32
    %cond3A_63 = arith.constant 0 : i32
    %cond3A_64 = arith.cmpi ne, %convert_element_type3A_62, %cond3A_63 : i32
    scf.if %cond3A_64 {
      %broadcast_in_dim3A = arith.constant 0x7F800000 : f32
      %broadcast_in_dim3A_69 = vector.broadcast %broadcast_in_dim3A : f32 to vector<512x8xf32>
      %swap3A = arith.index_cast %arg1 : i32 to index
      %swap3A_70 = arith.constant 0 : index
      %swap3A_71 = arith.constant 0 : index
      %swap3A_72 = vector.load %arg5[%swap3A, %swap3A_70, %swap3A_71] : memref<4x512x8xf32, #tpu.memory_space<vmem>>, vector<1x512x8xf32>
      %swap3A_73 = vector.shape_cast %swap3A_72 : vector<1x512x8xf32> to vector<512x8xf32>
      %swap3A_74 = vector.shape_cast %broadcast_in_dim3A_69 : vector<512x8xf32> to vector<1x512x8xf32>
      tpu.vector_store %arg5[%swap3A, %swap3A_70, %swap3A_71], %swap3A_74 {strides = array<i32>} : memref<4x512x8xf32, #tpu.memory_space<vmem>>, vector<1x512x8xf32>,
      %broadcast_in_dim3A_75 = arith.constant 0 : i32
      %broadcast_in_dim3A_76 = vector.broadcast %broadcast_in_dim3A_75 : i32 to vector<512x8xi32>
      %swap3A_77 = arith.index_cast %arg1 : i32 to index
      %swap3A_78 = arith.constant 0 : index
      %swap3A_79 = arith.constant 0 : index
      %swap3A_80 = vector.load %arg6[%swap3A_77, %swap3A_78, %swap3A_79] : memref<4x512x8xi32, #tpu.memory_space<vmem>>, vector<1x512x8xi32>
      %swap3A_81 = vector.shape_cast %swap3A_80 : vector<1x512x8xi32> to vector<512x8xi32>
      %swap3A_82 = vector.shape_cast %broadcast_in_dim3A_76 : vector<512x8xi32> to vector<1x512x8xi32>
      tpu.vector_store %arg6[%swap3A_77, %swap3A_78, %swap3A_79], %swap3A_82 {strides = array<i32>} : memref<4x512x8xi32, #tpu.memory_space<vmem>>, vector<1x512x8xi32>,
    } else {
    }
    %eq3A = arith.constant 3 : i32
    %eq3A_65 = arith.cmpi eq, %arg1, %eq3A : i32
    %convert_element_type3A_66 = arith.extui %eq3A_65 : i1 to i32
    %cond3A_67 = arith.constant 0 : i32
    %cond3A_68 = arith.cmpi ne, %convert_element_type3A_66, %cond3A_67 : i32
    scf.if %cond3A_68 {
      %get3A_69 = arith.constant 0 : index
      %get3A_70 = arith.constant 0 : index
      %get3A_71 = arith.constant 0 : index
      %get3A_72 = vector.load %arg5[%get3A_69, %get3A_70, %get3A_71] : memref<4x512x8xf32, #tpu.memory_space<vmem>>, vector<1x512x8xf32>
      %get3A_73 = vector.shape_cast %get3A_72 : vector<1x512x8xf32> to vector<512x8xf32>
      %get3A_74 = arith.constant 1 : index
      %get3A_75 = arith.constant 0 : index
      %get3A_76 = arith.constant 0 : index
      %get3A_77 = vector.load %arg5[%get3A_74, %get3A_75, %get3A_76] : memref<4x512x8xf32, #tpu.memory_space<vmem>>, vector<1x512x8xf32>
      %get3A_78 = vector.shape_cast %get3A_77 : vector<1x512x8xf32> to vector<512x8xf32>
      %get3A_79 = arith.constant 2 : index
      %get3A_80 = arith.constant 0 : index
      %get3A_81 = arith.constant 0 : index
      %get3A_82 = vector.load %arg5[%get3A_79, %get3A_80, %get3A_81] : memref<4x512x8xf32, #tpu.memory_space<vmem>>, vector<1x512x8xf32>
      %get3A_83 = vector.shape_cast %get3A_82 : vector<1x512x8xf32> to vector<512x8xf32>
      %get3A_84 = arith.constant 3 : index
      %get3A_85 = arith.constant 0 : index
      %get3A_86 = arith.constant 0 : index
      %get3A_87 = vector.load %arg5[%get3A_84, %get3A_85, %get3A_86] : memref<4x512x8xf32, #tpu.memory_space<vmem>>, vector<1x512x8xf32>
      %get3A_88 = vector.shape_cast %get3A_87 : vector<1x512x8xf32> to vector<512x8xf32>
      %concatenate3A = tpu.concatenate %get3A_73, %get3A_78, %get3A_83, %get3A_88 in 1 : vector<512x8xf32>, vector<512x8xf32>, vector<512x8xf32>, vector<512x8xf32> -> vector<512x32xf32>
      %get3A_89 = arith.constant 0 : index
      %get3A_90 = arith.constant 0 : index
      %get3A_91 = arith.constant 0 : index
      %get3A_92 = vector.load %arg6[%get3A_89, %get3A_90, %get3A_91] : memref<4x512x8xi32, #tpu.memory_space<vmem>>, vector<1x512x8xi32>
      %get3A_93 = vector.shape_cast %get3A_92 : vector<1x512x8xi32> to vector<512x8xi32>
      %get3A_94 = arith.constant 1 : index
      %get3A_95 = arith.constant 0 : index
      %get3A_96 = arith.constant 0 : index
      %get3A_97 = vector.load %arg6[%get3A_94, %get3A_95, %get3A_96] : memref<4x512x8xi32, #tpu.memory_space<vmem>>, vector<1x512x8xi32>
      %get3A_98 = vector.shape_cast %get3A_97 : vector<1x512x8xi32> to vector<512x8xi32>
      %get3A_99 = arith.constant 2 : index
      %get3A_100 = arith.constant 0 : index
      %get3A_101 = arith.constant 0 : index
      %get3A_102 = vector.load %arg6[%get3A_99, %get3A_100, %get3A_101] : memref<4x512x8xi32, #tpu.memory_space<vmem>>, vector<1x512x8xi32>
      %get3A_103 = vector.shape_cast %get3A_102 : vector<1x512x8xi32> to vector<512x8xi32>
      %get3A_104 = arith.constant 3 : index
      %get3A_105 = arith.constant 0 : index
      %get3A_106 = arith.constant 0 : index
      %get3A_107 = vector.load %arg6[%get3A_104, %get3A_105, %get3A_106] : memref<4x512x8xi32, #tpu.memory_space<vmem>>, vector<1x512x8xi32>
      %get3A_108 = vector.shape_cast %get3A_107 : vector<1x512x8xi32> to vector<512x8xi32>
      %concatenate3A_109 = tpu.concatenate %get3A_93, %get3A_98, %get3A_103, %get3A_108 in 1 : vector<512x8xi32>, vector<512x8xi32>, vector<512x8xi32>, vector<512x8xi32> -> vector<512x32xi32>
      %iota3A = tpu.iota {dimensions = array<i32: 1>} : vector<512x32xi32>
      %reduce_min3A_110 = arith.constant dense<0x7F800000> : vector<512xf32>
      %reduce_min3A_111 = vector.multi_reduction <minimumf>, %concatenate3A, %reduce_min3A_110 [1] : vector<512x32xf32> to vector<512xf32>
      %broadcast_in_dim3A = vector.shape_cast %reduce_min3A_111 : vector<512xf32> to vector<512x1xf32>
      %eq3A_112 = vector.broadcast %broadcast_in_dim3A : vector<512x1xf32> to vector<512x32xf32>
      %eq3A_113 = arith.cmpf oeq, %concatenate3A, %eq3A_112 : vector<512x32xf32>
      %jit3A = arith.constant 1073741824 : i32
      %broadcast_in_dim3A_114 = vector.broadcast %jit3A : i32 to vector<512x32xi32>
      %select_n3A = arith.select %eq3A_113, %iota3A, %broadcast_in_dim3A_114 : vector<512x32xi1>, vector<512x32xi32>
      %reduce_min3A_115 = arith.constant dense<2147483647> : vector<512xi32>
      %reduce_min3A_116 = vector.multi_reduction <minsi>, %select_n3A, %reduce_min3A_115 [1] : vector<512x32xi32> to vector<512xi32>
      %broadcast_in_dim3A_117 = vector.shape_cast %reduce_min3A_116 : vector<512xi32> to vector<512x1xi32>
      %eq3A_118 = vector.broadcast %broadcast_in_dim3A_117 : vector<512x1xi32> to vector<512x32xi32>
      %eq3A_119 = arith.cmpi eq, %iota3A, %eq3A_118 : vector<512x32xi32>
      %jit3A_120 = arith.constant 0 : i32
      %broadcast_in_dim3A_121 = vector.broadcast %jit3A_120 : i32 to vector<512x32xi32>
      %select_n3A_122 = arith.select %eq3A_119, %concatenate3A_109, %broadcast_in_dim3A_121 : vector<512x32xi1>, vector<512x32xi32>
      %reduce_sum3A = arith.constant dense<0> : vector<512xi32>
      %reduce_sum3A_123 = vector.multi_reduction <add>, %select_n3A_122, %reduce_sum3A [1] : vector<512x32xi32> to vector<512xi32>
      %broadcast_in_dim3A_124 = vector.shape_cast %reduce_sum3A_123 : vector<512xi32> to vector<512x1xi32>
      %le3A_125 = arith.constant 1.600000e+01 : f32
      %le3A_126 = vector.broadcast %le3A_125 : f32 to vector<512x1xf32>
      %le3A_127 = arith.cmpf ole, %broadcast_in_dim3A, %le3A_126 : vector<512x1xf32>
      %jit3A_128 = arith.constant 0 : i32
      %broadcast_in_dim3A_129 = vector.broadcast %jit3A_128 : i32 to vector<512x1xi32>
      %select_n3A_130 = arith.select %le3A_127, %broadcast_in_dim3A_124, %broadcast_in_dim3A_129 : vector<512x1xi1>, vector<512x1xi32>
      %swap3A = arith.constant 0 : index
      %swap3A_131 = arith.constant 0 : index
      %swap3A_132 = vector.load %arg4[%swap3A, %swap3A_131] : memref<512x8xi32, #tpu.memory_space<vmem>>, vector<512x1xi32>
      tpu.vector_store %arg4[%swap3A, %swap3A_131], %select_n3A_130 {strides = array<i32>} : memref<512x8xi32, #tpu.memory_space<vmem>>, vector<512x1xi32>,
      %eq3A_133 = vector.broadcast %broadcast_in_dim3A_117 : vector<512x1xi32> to vector<512x32xi32>
      %eq3A_134 = arith.cmpi eq, %iota3A, %eq3A_133 : vector<512x32xi32>
      %jit3A_135 = arith.constant 0x7F800000 : f32
      %broadcast_in_dim3A_136 = vector.broadcast %jit3A_135 : f32 to vector<512x32xf32>
      %select_n3A_137 = arith.select %eq3A_134, %broadcast_in_dim3A_136, %concatenate3A : vector<512x32xi1>, vector<512x32xf32>
      %reduce_min3A_138 = arith.constant dense<0x7F800000> : vector<512xf32>
      %reduce_min3A_139 = vector.multi_reduction <minimumf>, %select_n3A_137, %reduce_min3A_138 [1] : vector<512x32xf32> to vector<512xf32>
      %broadcast_in_dim3A_140 = vector.shape_cast %reduce_min3A_139 : vector<512xf32> to vector<512x1xf32>
      %eq3A_141 = vector.broadcast %broadcast_in_dim3A_140 : vector<512x1xf32> to vector<512x32xf32>
      %eq3A_142 = arith.cmpf oeq, %select_n3A_137, %eq3A_141 : vector<512x32xf32>
      %jit3A_143 = arith.constant 1073741824 : i32
      %broadcast_in_dim3A_144 = vector.broadcast %jit3A_143 : i32 to vector<512x32xi32>
      %select_n3A_145 = arith.select %eq3A_142, %iota3A, %broadcast_in_dim3A_144 : vector<512x32xi1>, vector<512x32xi32>
      %reduce_min3A_146 = arith.constant dense<2147483647> : vector<512xi32>
      %reduce_min3A_147 = vector.multi_reduction <minsi>, %select_n3A_145, %reduce_min3A_146 [1] : vector<512x32xi32> to vector<512xi32>
      %broadcast_in_dim3A_148 = vector.shape_cast %reduce_min3A_147 : vector<512xi32> to vector<512x1xi32>
      %eq3A_149 = vector.broadcast %broadcast_in_dim3A_148 : vector<512x1xi32> to vector<512x32xi32>
      %eq3A_150 = arith.cmpi eq, %iota3A, %eq3A_149 : vector<512x32xi32>
      %jit3A_151 = arith.constant 0 : i32
      %broadcast_in_dim3A_152 = vector.broadcast %jit3A_151 : i32 to vector<512x32xi32>
      %select_n3A_153 = arith.select %eq3A_150, %concatenate3A_109, %broadcast_in_dim3A_152 : vector<512x32xi1>, vector<512x32xi32>
      %reduce_sum3A_154 = arith.constant dense<0> : vector<512xi32>
      %reduce_sum3A_155 = vector.multi_reduction <add>, %select_n3A_153, %reduce_sum3A_154 [1] : vector<512x32xi32> to vector<512xi32>
      %broadcast_in_dim3A_156 = vector.shape_cast %reduce_sum3A_155 : vector<512xi32> to vector<512x1xi32>
      %le3A_157 = arith.constant 1.600000e+01 : f32
      %le3A_158 = vector.broadcast %le3A_157 : f32 to vector<512x1xf32>
      %le3A_159 = arith.cmpf ole, %broadcast_in_dim3A_140, %le3A_158 : vector<512x1xf32>
      %jit3A_160 = arith.constant 0 : i32
      %broadcast_in_dim3A_161 = vector.broadcast %jit3A_160 : i32 to vector<512x1xi32>
      %select_n3A_162 = arith.select %le3A_159, %broadcast_in_dim3A_156, %broadcast_in_dim3A_161 : vector<512x1xi1>, vector<512x1xi32>
      %swap3A_163 = arith.constant 0 : index
      %swap3A_164 = arith.constant 1 : index
      %swap3A_165 = vector.load %arg4[%swap3A_163, %swap3A_164] : memref<512x8xi32, #tpu.memory_space<vmem>>, vector<512x1xi32>
      tpu.vector_store %arg4[%swap3A_163, %swap3A_164], %select_n3A_162 {strides = array<i32>} : memref<512x8xi32, #tpu.memory_space<vmem>>, vector<512x1xi32>,
      %eq3A_166 = vector.broadcast %broadcast_in_dim3A_148 : vector<512x1xi32> to vector<512x32xi32>
      %eq3A_167 = arith.cmpi eq, %iota3A, %eq3A_166 : vector<512x32xi32>
      %jit3A_168 = arith.constant 0x7F800000 : f32
      %broadcast_in_dim3A_169 = vector.broadcast %jit3A_168 : f32 to vector<512x32xf32>
      %select_n3A_170 = arith.select %eq3A_167, %broadcast_in_dim3A_169, %select_n3A_137 : vector<512x32xi1>, vector<512x32xf32>
      %reduce_min3A_171 = arith.constant dense<0x7F800000> : vector<512xf32>
      %reduce_min3A_172 = vector.multi_reduction <minimumf>, %select_n3A_170, %reduce_min3A_171 [1] : vector<512x32xf32> to vector<512xf32>
      %broadcast_in_dim3A_173 = vector.shape_cast %reduce_min3A_172 : vector<512xf32> to vector<512x1xf32>
      %eq3A_174 = vector.broadcast %broadcast_in_dim3A_173 : vector<512x1xf32> to vector<512x32xf32>
      %eq3A_175 = arith.cmpf oeq, %select_n3A_170, %eq3A_174 : vector<512x32xf32>
      %jit3A_176 = arith.constant 1073741824 : i32
      %broadcast_in_dim3A_177 = vector.broadcast %jit3A_176 : i32 to vector<512x32xi32>
      %select_n3A_178 = arith.select %eq3A_175, %iota3A, %broadcast_in_dim3A_177 : vector<512x32xi1>, vector<512x32xi32>
      %reduce_min3A_179 = arith.constant dense<2147483647> : vector<512xi32>
      %reduce_min3A_180 = vector.multi_reduction <minsi>, %select_n3A_178, %reduce_min3A_179 [1] : vector<512x32xi32> to vector<512xi32>
      %broadcast_in_dim3A_181 = vector.shape_cast %reduce_min3A_180 : vector<512xi32> to vector<512x1xi32>
      %eq3A_182 = vector.broadcast %broadcast_in_dim3A_181 : vector<512x1xi32> to vector<512x32xi32>
      %eq3A_183 = arith.cmpi eq, %iota3A, %eq3A_182 : vector<512x32xi32>
      %jit3A_184 = arith.constant 0 : i32
      %broadcast_in_dim3A_185 = vector.broadcast %jit3A_184 : i32 to vector<512x32xi32>
      %select_n3A_186 = arith.select %eq3A_183, %concatenate3A_109, %broadcast_in_dim3A_185 : vector<512x32xi1>, vector<512x32xi32>
      %reduce_sum3A_187 = arith.constant dense<0> : vector<512xi32>
      %reduce_sum3A_188 = vector.multi_reduction <add>, %select_n3A_186, %reduce_sum3A_187 [1] : vector<512x32xi32> to vector<512xi32>
      %broadcast_in_dim3A_189 = vector.shape_cast %reduce_sum3A_188 : vector<512xi32> to vector<512x1xi32>
      %le3A_190 = arith.constant 1.600000e+01 : f32
      %le3A_191 = vector.broadcast %le3A_190 : f32 to vector<512x1xf32>
      %le3A_192 = arith.cmpf ole, %broadcast_in_dim3A_173, %le3A_191 : vector<512x1xf32>
      %jit3A_193 = arith.constant 0 : i32
      %broadcast_in_dim3A_194 = vector.broadcast %jit3A_193 : i32 to vector<512x1xi32>
      %select_n3A_195 = arith.select %le3A_192, %broadcast_in_dim3A_189, %broadcast_in_dim3A_194 : vector<512x1xi1>, vector<512x1xi32>
      %swap3A_196 = arith.constant 0 : index
      %swap3A_197 = arith.constant 2 : index
      %swap3A_198 = vector.load %arg4[%swap3A_196, %swap3A_197] : memref<512x8xi32, #tpu.memory_space<vmem>>, vector<512x1xi32>
      tpu.vector_store %arg4[%swap3A_196, %swap3A_197], %select_n3A_195 {strides = array<i32>} : memref<512x8xi32, #tpu.memory_space<vmem>>, vector<512x1xi32>,
      %eq3A_199 = vector.broadcast %broadcast_in_dim3A_181 : vector<512x1xi32> to vector<512x32xi32>
      %eq3A_200 = arith.cmpi eq, %iota3A, %eq3A_199 : vector<512x32xi32>
      %jit3A_201 = arith.constant 0x7F800000 : f32
      %broadcast_in_dim3A_202 = vector.broadcast %jit3A_201 : f32 to vector<512x32xf32>
      %select_n3A_203 = arith.select %eq3A_200, %broadcast_in_dim3A_202, %select_n3A_170 : vector<512x32xi1>, vector<512x32xf32>
      %reduce_min3A_204 = arith.constant dense<0x7F800000> : vector<512xf32>
      %reduce_min3A_205 = vector.multi_reduction <minimumf>, %select_n3A_203, %reduce_min3A_204 [1] : vector<512x32xf32> to vector<512xf32>
      %broadcast_in_dim3A_206 = vector.shape_cast %reduce_min3A_205 : vector<512xf32> to vector<512x1xf32>
      %eq3A_207 = vector.broadcast %broadcast_in_dim3A_206 : vector<512x1xf32> to vector<512x32xf32>
      %eq3A_208 = arith.cmpf oeq, %select_n3A_203, %eq3A_207 : vector<512x32xf32>
      %jit3A_209 = arith.constant 1073741824 : i32
      %broadcast_in_dim3A_210 = vector.broadcast %jit3A_209 : i32 to vector<512x32xi32>
      %select_n3A_211 = arith.select %eq3A_208, %iota3A, %broadcast_in_dim3A_210 : vector<512x32xi1>, vector<512x32xi32>
      %reduce_min3A_212 = arith.constant dense<2147483647> : vector<512xi32>
      %reduce_min3A_213 = vector.multi_reduction <minsi>, %select_n3A_211, %reduce_min3A_212 [1] : vector<512x32xi32> to vector<512xi32>
      %broadcast_in_dim3A_214 = vector.shape_cast %reduce_min3A_213 : vector<512xi32> to vector<512x1xi32>
      %eq3A_215 = vector.broadcast %broadcast_in_dim3A_214 : vector<512x1xi32> to vector<512x32xi32>
      %eq3A_216 = arith.cmpi eq, %iota3A, %eq3A_215 : vector<512x32xi32>
      %jit3A_217 = arith.constant 0 : i32
      %broadcast_in_dim3A_218 = vector.broadcast %jit3A_217 : i32 to vector<512x32xi32>
      %select_n3A_219 = arith.select %eq3A_216, %concatenate3A_109, %broadcast_in_dim3A_218 : vector<512x32xi1>, vector<512x32xi32>
      %reduce_sum3A_220 = arith.constant dense<0> : vector<512xi32>
      %reduce_sum3A_221 = vector.multi_reduction <add>, %select_n3A_219, %reduce_sum3A_220 [1] : vector<512x32xi32> to vector<512xi32>
      %broadcast_in_dim3A_222 = vector.shape_cast %reduce_sum3A_221 : vector<512xi32> to vector<512x1xi32>
      %le3A_223 = arith.constant 1.600000e+01 : f32
      %le3A_224 = vector.broadcast %le3A_223 : f32 to vector<512x1xf32>
      %le3A_225 = arith.cmpf ole, %broadcast_in_dim3A_206, %le3A_224 : vector<512x1xf32>
      %jit3A_226 = arith.constant 0 : i32
      %broadcast_in_dim3A_227 = vector.broadcast %jit3A_226 : i32 to vector<512x1xi32>
      %select_n3A_228 = arith.select %le3A_225, %broadcast_in_dim3A_222, %broadcast_in_dim3A_227 : vector<512x1xi1>, vector<512x1xi32>
      %swap3A_229 = arith.constant 0 : index
      %swap3A_230 = arith.constant 3 : index
      %swap3A_231 = vector.load %arg4[%swap3A_229, %swap3A_230] : memref<512x8xi32, #tpu.memory_space<vmem>>, vector<512x1xi32>
      tpu.vector_store %arg4[%swap3A_229, %swap3A_230], %select_n3A_228 {strides = array<i32>} : memref<512x8xi32, #tpu.memory_space<vmem>>, vector<512x1xi32>,
      %eq3A_232 = vector.broadcast %broadcast_in_dim3A_214 : vector<512x1xi32> to vector<512x32xi32>
      %eq3A_233 = arith.cmpi eq, %iota3A, %eq3A_232 : vector<512x32xi32>
      %jit3A_234 = arith.constant 0x7F800000 : f32
      %broadcast_in_dim3A_235 = vector.broadcast %jit3A_234 : f32 to vector<512x32xf32>
      %select_n3A_236 = arith.select %eq3A_233, %broadcast_in_dim3A_235, %select_n3A_203 : vector<512x32xi1>, vector<512x32xf32>
      %reduce_min3A_237 = arith.constant dense<0x7F800000> : vector<512xf32>
      %reduce_min3A_238 = vector.multi_reduction <minimumf>, %select_n3A_236, %reduce_min3A_237 [1] : vector<512x32xf32> to vector<512xf32>
      %broadcast_in_dim3A_239 = vector.shape_cast %reduce_min3A_238 : vector<512xf32> to vector<512x1xf32>
      %eq3A_240 = vector.broadcast %broadcast_in_dim3A_239 : vector<512x1xf32> to vector<512x32xf32>
      %eq3A_241 = arith.cmpf oeq, %select_n3A_236, %eq3A_240 : vector<512x32xf32>
      %jit3A_242 = arith.constant 1073741824 : i32
      %broadcast_in_dim3A_243 = vector.broadcast %jit3A_242 : i32 to vector<512x32xi32>
      %select_n3A_244 = arith.select %eq3A_241, %iota3A, %broadcast_in_dim3A_243 : vector<512x32xi1>, vector<512x32xi32>
      %reduce_min3A_245 = arith.constant dense<2147483647> : vector<512xi32>
      %reduce_min3A_246 = vector.multi_reduction <minsi>, %select_n3A_244, %reduce_min3A_245 [1] : vector<512x32xi32> to vector<512xi32>
      %broadcast_in_dim3A_247 = vector.shape_cast %reduce_min3A_246 : vector<512xi32> to vector<512x1xi32>
      %eq3A_248 = vector.broadcast %broadcast_in_dim3A_247 : vector<512x1xi32> to vector<512x32xi32>
      %eq3A_249 = arith.cmpi eq, %iota3A, %eq3A_248 : vector<512x32xi32>
      %jit3A_250 = arith.constant 0 : i32
      %broadcast_in_dim3A_251 = vector.broadcast %jit3A_250 : i32 to vector<512x32xi32>
      %select_n3A_252 = arith.select %eq3A_249, %concatenate3A_109, %broadcast_in_dim3A_251 : vector<512x32xi1>, vector<512x32xi32>
      %reduce_sum3A_253 = arith.constant dense<0> : vector<512xi32>
      %reduce_sum3A_254 = vector.multi_reduction <add>, %select_n3A_252, %reduce_sum3A_253 [1] : vector<512x32xi32> to vector<512xi32>
      %broadcast_in_dim3A_255 = vector.shape_cast %reduce_sum3A_254 : vector<512xi32> to vector<512x1xi32>
      %le3A_256 = arith.constant 1.600000e+01 : f32
      %le3A_257 = vector.broadcast %le3A_256 : f32 to vector<512x1xf32>
      %le3A_258 = arith.cmpf ole, %broadcast_in_dim3A_239, %le3A_257 : vector<512x1xf32>
      %jit3A_259 = arith.constant 0 : i32
      %broadcast_in_dim3A_260 = vector.broadcast %jit3A_259 : i32 to vector<512x1xi32>
      %select_n3A_261 = arith.select %le3A_258, %broadcast_in_dim3A_255, %broadcast_in_dim3A_260 : vector<512x1xi1>, vector<512x1xi32>
      %swap3A_262 = arith.constant 0 : index
      %swap3A_263 = arith.constant 4 : index
      %swap3A_264 = vector.load %arg4[%swap3A_262, %swap3A_263] : memref<512x8xi32, #tpu.memory_space<vmem>>, vector<512x1xi32>
      tpu.vector_store %arg4[%swap3A_262, %swap3A_263], %select_n3A_261 {strides = array<i32>} : memref<512x8xi32, #tpu.memory_space<vmem>>, vector<512x1xi32>,
      %eq3A_265 = vector.broadcast %broadcast_in_dim3A_247 : vector<512x1xi32> to vector<512x32xi32>
      %eq3A_266 = arith.cmpi eq, %iota3A, %eq3A_265 : vector<512x32xi32>
      %jit3A_267 = arith.constant 0x7F800000 : f32
      %broadcast_in_dim3A_268 = vector.broadcast %jit3A_267 : f32 to vector<512x32xf32>
      %select_n3A_269 = arith.select %eq3A_266, %broadcast_in_dim3A_268, %select_n3A_236 : vector<512x32xi1>, vector<512x32xf32>
      %reduce_min3A_270 = arith.constant dense<0x7F800000> : vector<512xf32>
      %reduce_min3A_271 = vector.multi_reduction <minimumf>, %select_n3A_269, %reduce_min3A_270 [1] : vector<512x32xf32> to vector<512xf32>
      %broadcast_in_dim3A_272 = vector.shape_cast %reduce_min3A_271 : vector<512xf32> to vector<512x1xf32>
      %eq3A_273 = vector.broadcast %broadcast_in_dim3A_272 : vector<512x1xf32> to vector<512x32xf32>
      %eq3A_274 = arith.cmpf oeq, %select_n3A_269, %eq3A_273 : vector<512x32xf32>
      %jit3A_275 = arith.constant 1073741824 : i32
      %broadcast_in_dim3A_276 = vector.broadcast %jit3A_275 : i32 to vector<512x32xi32>
      %select_n3A_277 = arith.select %eq3A_274, %iota3A, %broadcast_in_dim3A_276 : vector<512x32xi1>, vector<512x32xi32>
      %reduce_min3A_278 = arith.constant dense<2147483647> : vector<512xi32>
      %reduce_min3A_279 = vector.multi_reduction <minsi>, %select_n3A_277, %reduce_min3A_278 [1] : vector<512x32xi32> to vector<512xi32>
      %broadcast_in_dim3A_280 = vector.shape_cast %reduce_min3A_279 : vector<512xi32> to vector<512x1xi32>
      %eq3A_281 = vector.broadcast %broadcast_in_dim3A_280 : vector<512x1xi32> to vector<512x32xi32>
      %eq3A_282 = arith.cmpi eq, %iota3A, %eq3A_281 : vector<512x32xi32>
      %jit3A_283 = arith.constant 0 : i32
      %broadcast_in_dim3A_284 = vector.broadcast %jit3A_283 : i32 to vector<512x32xi32>
      %select_n3A_285 = arith.select %eq3A_282, %concatenate3A_109, %broadcast_in_dim3A_284 : vector<512x32xi1>, vector<512x32xi32>
      %reduce_sum3A_286 = arith.constant dense<0> : vector<512xi32>
      %reduce_sum3A_287 = vector.multi_reduction <add>, %select_n3A_285, %reduce_sum3A_286 [1] : vector<512x32xi32> to vector<512xi32>
      %broadcast_in_dim3A_288 = vector.shape_cast %reduce_sum3A_287 : vector<512xi32> to vector<512x1xi32>
      %le3A_289 = arith.constant 1.600000e+01 : f32
      %le3A_290 = vector.broadcast %le3A_289 : f32 to vector<512x1xf32>
      %le3A_291 = arith.cmpf ole, %broadcast_in_dim3A_272, %le3A_290 : vector<512x1xf32>
      %jit3A_292 = arith.constant 0 : i32
      %broadcast_in_dim3A_293 = vector.broadcast %jit3A_292 : i32 to vector<512x1xi32>
      %select_n3A_294 = arith.select %le3A_291, %broadcast_in_dim3A_288, %broadcast_in_dim3A_293 : vector<512x1xi1>, vector<512x1xi32>
      %swap3A_295 = arith.constant 0 : index
      %swap3A_296 = arith.constant 5 : index
      %swap3A_297 = vector.load %arg4[%swap3A_295, %swap3A_296] : memref<512x8xi32, #tpu.memory_space<vmem>>, vector<512x1xi32>
      tpu.vector_store %arg4[%swap3A_295, %swap3A_296], %select_n3A_294 {strides = array<i32>} : memref<512x8xi32, #tpu.memory_space<vmem>>, vector<512x1xi32>,
      %eq3A_298 = vector.broadcast %broadcast_in_dim3A_280 : vector<512x1xi32> to vector<512x32xi32>
      %eq3A_299 = arith.cmpi eq, %iota3A, %eq3A_298 : vector<512x32xi32>
      %jit3A_300 = arith.constant 0x7F800000 : f32
      %broadcast_in_dim3A_301 = vector.broadcast %jit3A_300 : f32 to vector<512x32xf32>
      %select_n3A_302 = arith.select %eq3A_299, %broadcast_in_dim3A_301, %select_n3A_269 : vector<512x32xi1>, vector<512x32xf32>
      %reduce_min3A_303 = arith.constant dense<0x7F800000> : vector<512xf32>
      %reduce_min3A_304 = vector.multi_reduction <minimumf>, %select_n3A_302, %reduce_min3A_303 [1] : vector<512x32xf32> to vector<512xf32>
      %broadcast_in_dim3A_305 = vector.shape_cast %reduce_min3A_304 : vector<512xf32> to vector<512x1xf32>
      %eq3A_306 = vector.broadcast %broadcast_in_dim3A_305 : vector<512x1xf32> to vector<512x32xf32>
      %eq3A_307 = arith.cmpf oeq, %select_n3A_302, %eq3A_306 : vector<512x32xf32>
      %jit3A_308 = arith.constant 1073741824 : i32
      %broadcast_in_dim3A_309 = vector.broadcast %jit3A_308 : i32 to vector<512x32xi32>
      %select_n3A_310 = arith.select %eq3A_307, %iota3A, %broadcast_in_dim3A_309 : vector<512x32xi1>, vector<512x32xi32>
      %reduce_min3A_311 = arith.constant dense<2147483647> : vector<512xi32>
      %reduce_min3A_312 = vector.multi_reduction <minsi>, %select_n3A_310, %reduce_min3A_311 [1] : vector<512x32xi32> to vector<512xi32>
      %broadcast_in_dim3A_313 = vector.shape_cast %reduce_min3A_312 : vector<512xi32> to vector<512x1xi32>
      %eq3A_314 = vector.broadcast %broadcast_in_dim3A_313 : vector<512x1xi32> to vector<512x32xi32>
      %eq3A_315 = arith.cmpi eq, %iota3A, %eq3A_314 : vector<512x32xi32>
      %jit3A_316 = arith.constant 0 : i32
      %broadcast_in_dim3A_317 = vector.broadcast %jit3A_316 : i32 to vector<512x32xi32>
      %select_n3A_318 = arith.select %eq3A_315, %concatenate3A_109, %broadcast_in_dim3A_317 : vector<512x32xi1>, vector<512x32xi32>
      %reduce_sum3A_319 = arith.constant dense<0> : vector<512xi32>
      %reduce_sum3A_320 = vector.multi_reduction <add>, %select_n3A_318, %reduce_sum3A_319 [1] : vector<512x32xi32> to vector<512xi32>
      %broadcast_in_dim3A_321 = vector.shape_cast %reduce_sum3A_320 : vector<512xi32> to vector<512x1xi32>
      %le3A_322 = arith.constant 1.600000e+01 : f32
      %le3A_323 = vector.broadcast %le3A_322 : f32 to vector<512x1xf32>
      %le3A_324 = arith.cmpf ole, %broadcast_in_dim3A_305, %le3A_323 : vector<512x1xf32>
      %jit3A_325 = arith.constant 0 : i32
      %broadcast_in_dim3A_326 = vector.broadcast %jit3A_325 : i32 to vector<512x1xi32>
      %select_n3A_327 = arith.select %le3A_324, %broadcast_in_dim3A_321, %broadcast_in_dim3A_326 : vector<512x1xi1>, vector<512x1xi32>
      %swap3A_328 = arith.constant 0 : index
      %swap3A_329 = arith.constant 6 : index
      %swap3A_330 = vector.load %arg4[%swap3A_328, %swap3A_329] : memref<512x8xi32, #tpu.memory_space<vmem>>, vector<512x1xi32>
      tpu.vector_store %arg4[%swap3A_328, %swap3A_329], %select_n3A_327 {strides = array<i32>} : memref<512x8xi32, #tpu.memory_space<vmem>>, vector<512x1xi32>,
      %eq3A_331 = vector.broadcast %broadcast_in_dim3A_313 : vector<512x1xi32> to vector<512x32xi32>
      %eq3A_332 = arith.cmpi eq, %iota3A, %eq3A_331 : vector<512x32xi32>
      %jit3A_333 = arith.constant 0x7F800000 : f32
      %broadcast_in_dim3A_334 = vector.broadcast %jit3A_333 : f32 to vector<512x32xf32>
      %select_n3A_335 = arith.select %eq3A_332, %broadcast_in_dim3A_334, %select_n3A_302 : vector<512x32xi1>, vector<512x32xf32>
      %reduce_min3A_336 = arith.constant dense<0x7F800000> : vector<512xf32>
      %reduce_min3A_337 = vector.multi_reduction <minimumf>, %select_n3A_335, %reduce_min3A_336 [1] : vector<512x32xf32> to vector<512xf32>
      %broadcast_in_dim3A_338 = vector.shape_cast %reduce_min3A_337 : vector<512xf32> to vector<512x1xf32>
      %eq3A_339 = vector.broadcast %broadcast_in_dim3A_338 : vector<512x1xf32> to vector<512x32xf32>
      %eq3A_340 = arith.cmpf oeq, %select_n3A_335, %eq3A_339 : vector<512x32xf32>
      %jit3A_341 = arith.constant 1073741824 : i32
      %broadcast_in_dim3A_342 = vector.broadcast %jit3A_341 : i32 to vector<512x32xi32>
      %select_n3A_343 = arith.select %eq3A_340, %iota3A, %broadcast_in_dim3A_342 : vector<512x32xi1>, vector<512x32xi32>
      %reduce_min3A_344 = arith.constant dense<2147483647> : vector<512xi32>
      %reduce_min3A_345 = vector.multi_reduction <minsi>, %select_n3A_343, %reduce_min3A_344 [1] : vector<512x32xi32> to vector<512xi32>
      %broadcast_in_dim3A_346 = vector.shape_cast %reduce_min3A_345 : vector<512xi32> to vector<512x1xi32>
      %eq3A_347 = vector.broadcast %broadcast_in_dim3A_346 : vector<512x1xi32> to vector<512x32xi32>
      %eq3A_348 = arith.cmpi eq, %iota3A, %eq3A_347 : vector<512x32xi32>
      %jit3A_349 = arith.constant 0 : i32
      %broadcast_in_dim3A_350 = vector.broadcast %jit3A_349 : i32 to vector<512x32xi32>
      %select_n3A_351 = arith.select %eq3A_348, %concatenate3A_109, %broadcast_in_dim3A_350 : vector<512x32xi1>, vector<512x32xi32>
      %reduce_sum3A_352 = arith.constant dense<0> : vector<512xi32>
      %reduce_sum3A_353 = vector.multi_reduction <add>, %select_n3A_351, %reduce_sum3A_352 [1] : vector<512x32xi32> to vector<512xi32>
      %broadcast_in_dim3A_354 = vector.shape_cast %reduce_sum3A_353 : vector<512xi32> to vector<512x1xi32>
      %le3A_355 = arith.constant 1.600000e+01 : f32
      %le3A_356 = vector.broadcast %le3A_355 : f32 to vector<512x1xf32>
      %le3A_357 = arith.cmpf ole, %broadcast_in_dim3A_338, %le3A_356 : vector<512x1xf32>
      %jit3A_358 = arith.constant 0 : i32
      %broadcast_in_dim3A_359 = vector.broadcast %jit3A_358 : i32 to vector<512x1xi32>
      %select_n3A_360 = arith.select %le3A_357, %broadcast_in_dim3A_354, %broadcast_in_dim3A_359 : vector<512x1xi1>, vector<512x1xi32>
      %swap3A_361 = arith.constant 0 : index
      %swap3A_362 = arith.constant 7 : index
      %swap3A_363 = vector.load %arg4[%swap3A_361, %swap3A_362] : memref<512x8xi32, #tpu.memory_space<vmem>>, vector<512x1xi32>
      tpu.vector_store %arg4[%swap3A_361, %swap3A_362], %select_n3A_360 {strides = array<i32>} : memref<512x8xi32, #tpu.memory_space<vmem>>, vector<512x1xi32>,
    } else {
    }
    return
  }
  func.func @transform_0(%arg0: i32, %arg1: i32) -> (i32, i32) {
    %c0_i32 = arith.constant 0 : i32
    %c0_i32_0 = arith.constant 0 : i32
    return %c0_i32, %arg1 : i32, i32
  }
  func.func @transform_1(%arg0: i32, %arg1: i32) -> (i32, i32) {
    %c0_i32 = arith.constant 0 : i32
    %c0_i32_0 = arith.constant 0 : i32
    return %arg0, %c0_i32 : i32, i32
  }
  func.func @transform_2(%arg0: i32, %arg1: i32) -> (i32, i32) {
    %c0_i32 = arith.constant 0 : i32
    %c0_i32_0 = arith.constant 0 : i32
    return %arg0, %c0_i32 : i32, i32
  }
}

module attributes {stable_mosaic.version = 14 : i64} {
  func.func @_finish_body(%arg0: memref<16x8x4096xf32, #tpu.memory_space<vmem>>, %arg1: memref<2x4096xf32, #tpu.memory_space<vmem>>, %arg2: memref<2x4096xf32, #tpu.memory_space<vmem>>, %arg3: memref<1x1xf32, #tpu.memory_space<vmem>>) attributes {dimension_semantics = [], scalar_prefetch = 0 : i64, scratch_operands = 0 : i64, tpu.core_type = #tpu.core_type<tc>} {
    %get3A = arith.constant 0 : index
    %get3A_0 = arith.constant 0 : index
    %get3A_1 = arith.constant 0 : index
    %get3A_2 = vector.load %arg0[%get3A, %get3A_0, %get3A_1] : memref<16x8x4096xf32, #tpu.memory_space<vmem>>, vector<1x8x4096xf32>
    %get3A_3 = vector.shape_cast %get3A_2 : vector<1x8x4096xf32> to vector<8x4096xf32>
    %get3A_4 = arith.constant 1 : index
    %get3A_5 = arith.constant 0 : index
    %get3A_6 = arith.constant 0 : index
    %get3A_7 = vector.load %arg0[%get3A_4, %get3A_5, %get3A_6] : memref<16x8x4096xf32, #tpu.memory_space<vmem>>, vector<1x8x4096xf32>
    %get3A_8 = vector.shape_cast %get3A_7 : vector<1x8x4096xf32> to vector<8x4096xf32>
    %get3A_9 = arith.constant 2 : index
    %get3A_10 = arith.constant 0 : index
    %get3A_11 = arith.constant 0 : index
    %get3A_12 = vector.load %arg0[%get3A_9, %get3A_10, %get3A_11] : memref<16x8x4096xf32, #tpu.memory_space<vmem>>, vector<1x8x4096xf32>
    %get3A_13 = vector.shape_cast %get3A_12 : vector<1x8x4096xf32> to vector<8x4096xf32>
    %get3A_14 = arith.constant 3 : index
    %get3A_15 = arith.constant 0 : index
    %get3A_16 = arith.constant 0 : index
    %get3A_17 = vector.load %arg0[%get3A_14, %get3A_15, %get3A_16] : memref<16x8x4096xf32, #tpu.memory_space<vmem>>, vector<1x8x4096xf32>
    %get3A_18 = vector.shape_cast %get3A_17 : vector<1x8x4096xf32> to vector<8x4096xf32>
    %get3A_19 = arith.constant 4 : index
    %get3A_20 = arith.constant 0 : index
    %get3A_21 = arith.constant 0 : index
    %get3A_22 = vector.load %arg0[%get3A_19, %get3A_20, %get3A_21] : memref<16x8x4096xf32, #tpu.memory_space<vmem>>, vector<1x8x4096xf32>
    %get3A_23 = vector.shape_cast %get3A_22 : vector<1x8x4096xf32> to vector<8x4096xf32>
    %get3A_24 = arith.constant 5 : index
    %get3A_25 = arith.constant 0 : index
    %get3A_26 = arith.constant 0 : index
    %get3A_27 = vector.load %arg0[%get3A_24, %get3A_25, %get3A_26] : memref<16x8x4096xf32, #tpu.memory_space<vmem>>, vector<1x8x4096xf32>
    %get3A_28 = vector.shape_cast %get3A_27 : vector<1x8x4096xf32> to vector<8x4096xf32>
    %get3A_29 = arith.constant 6 : index
    %get3A_30 = arith.constant 0 : index
    %get3A_31 = arith.constant 0 : index
    %get3A_32 = vector.load %arg0[%get3A_29, %get3A_30, %get3A_31] : memref<16x8x4096xf32, #tpu.memory_space<vmem>>, vector<1x8x4096xf32>
    %get3A_33 = vector.shape_cast %get3A_32 : vector<1x8x4096xf32> to vector<8x4096xf32>
    %get3A_34 = arith.constant 7 : index
    %get3A_35 = arith.constant 0 : index
    %get3A_36 = arith.constant 0 : index
    %get3A_37 = vector.load %arg0[%get3A_34, %get3A_35, %get3A_36] : memref<16x8x4096xf32, #tpu.memory_space<vmem>>, vector<1x8x4096xf32>
    %get3A_38 = vector.shape_cast %get3A_37 : vector<1x8x4096xf32> to vector<8x4096xf32>
    %get3A_39 = arith.constant 8 : index
    %get3A_40 = arith.constant 0 : index
    %get3A_41 = arith.constant 0 : index
    %get3A_42 = vector.load %arg0[%get3A_39, %get3A_40, %get3A_41] : memref<16x8x4096xf32, #tpu.memory_space<vmem>>, vector<1x8x4096xf32>
    %get3A_43 = vector.shape_cast %get3A_42 : vector<1x8x4096xf32> to vector<8x4096xf32>
    %get3A_44 = arith.constant 0 : index
    %get3A_45 = arith.constant 0 : index
    %get3A_46 = vector.load %arg1[%get3A_44, %get3A_45] : memref<2x4096xf32, #tpu.memory_space<vmem>>, vector<1x4096xf32>
    %get3A_47 = arith.constant 1 : index
    %get3A_48 = arith.constant 0 : index
    %get3A_49 = vector.load %arg1[%get3A_47, %get3A_48] : memref<2x4096xf32, #tpu.memory_space<vmem>>, vector<1x4096xf32>
    %get3A_50 = arith.constant 0 : index
    %get3A_51 = arith.constant 0 : index
    %get3A_52 = vector.load %arg2[%get3A_50, %get3A_51] : memref<2x4096xf32, #tpu.memory_space<vmem>>, vector<1x4096xf32>
    %get3A_53 = arith.constant 1 : index
    %get3A_54 = arith.constant 0 : index
    %get3A_55 = vector.load %arg2[%get3A_53, %get3A_54] : memref<2x4096xf32, #tpu.memory_space<vmem>>, vector<1x4096xf32>
    %sub3A = vector.broadcast %get3A_46 : vector<1x4096xf32> to vector<8x4096xf32>
    %sub3A_56 = arith.subf %get3A_38, %sub3A : vector<8x4096xf32>
    %sub3A_57 = vector.broadcast %get3A_49 : vector<1x4096xf32> to vector<8x4096xf32>
    %sub3A_58 = arith.subf %get3A_43, %sub3A_57 : vector<8x4096xf32>
    %mul3A = arith.mulf %sub3A_56, %sub3A_56 : vector<8x4096xf32>
    %add3A = arith.addf %get3A_8, %mul3A : vector<8x4096xf32>
    %mul3A_59 = arith.mulf %sub3A_58, %sub3A_58 : vector<8x4096xf32>
    %mul3A_60 = arith.mulf %get3A_13, %mul3A_59 : vector<8x4096xf32>
    %add3A_61 = arith.addf %add3A, %mul3A_60 : vector<8x4096xf32>
    %mul3A_62 = arith.constant -5.000000e-01 : f32
    %mul3A_63 = vector.broadcast %mul3A_62 : f32 to vector<8x4096xf32>
    %mul3A_64 = arith.mulf %mul3A_63, %add3A_61 : vector<8x4096xf32>
    %min3A = arith.constant 0.000000e+00 : f32
    %min3A_65 = vector.broadcast %min3A : f32 to vector<8x4096xf32>
    %min3A_66 = arith.minimumf %mul3A_64, %min3A_65 : vector<8x4096xf32>
    %exp3A = math.exp %min3A_66 : vector<8x4096xf32>
    %mul3A_67 = arith.mulf %get3A_18, %exp3A : vector<8x4096xf32>
    %jit3A = arith.constant 0.000000e+00 : f32
    %jit3A_68 = arith.constant 9.900000e-01 : f32
    %max3A = vector.broadcast %jit3A : f32 to vector<8x4096xf32>
    %max3A_69 = arith.maximumf %max3A, %mul3A_67 : vector<8x4096xf32>
    %min3A_70 = vector.broadcast %jit3A_68 : f32 to vector<8x4096xf32>
    %min3A_71 = arith.minimumf %min3A_70, %max3A_69 : vector<8x4096xf32>
    %mul3A_72 = arith.mulf %sub3A_56, %sub3A_56 : vector<8x4096xf32>
    %mul3A_73 = arith.mulf %sub3A_58, %sub3A_58 : vector<8x4096xf32>
    %add3A_74 = arith.addf %mul3A_72, %mul3A_73 : vector<8x4096xf32>
    %sqrt3A = math.sqrt %add3A_74 : vector<8x4096xf32>
    %sub3A_75 = vector.broadcast %get3A_52 : vector<1x4096xf32> to vector<8x4096xf32>
    %sub3A_76 = arith.subf %get3A_23, %sub3A_75 : vector<8x4096xf32>
    %sub3A_77 = vector.broadcast %get3A_55 : vector<1x4096xf32> to vector<8x4096xf32>
    %sub3A_78 = arith.subf %get3A_28, %sub3A_77 : vector<8x4096xf32>
    %mul3A_79 = arith.mulf %sub3A_76, %sub3A_76 : vector<8x4096xf32>
    %mul3A_80 = arith.mulf %sub3A_78, %sub3A_78 : vector<8x4096xf32>
    %add3A_81 = arith.addf %mul3A_79, %mul3A_80 : vector<8x4096xf32>
    %sqrt3A_82 = math.sqrt %add3A_81 : vector<8x4096xf32>
    %mul3A_83 = arith.mulf %sqrt3A_82, %get3A_33 : vector<8x4096xf32>
    %mul3A_84 = arith.mulf %sqrt3A, %get3A_3 : vector<8x4096xf32>
    %sub3A_85 = arith.subf %mul3A_83, %mul3A_84 : vector<8x4096xf32>
    %abs3A = math.absf %sub3A_85 : vector<8x4096xf32>
    %slice3A = vector.extract_strided_slice %get3A_3 {offsets = [0, 0], sizes = [1, 4096], strides = [1, 1]} : vector<8x4096xf32> to vector<1x4096xf32>
    %slice3A_86 = vector.extract_strided_slice %get3A_3 {offsets = [1, 0], sizes = [1, 4096], strides = [1, 1]} : vector<8x4096xf32> to vector<1x4096xf32>
    %slice3A_87 = vector.extract_strided_slice %get3A_3 {offsets = [2, 0], sizes = [1, 4096], strides = [1, 1]} : vector<8x4096xf32> to vector<1x4096xf32>
    %slice3A_88 = vector.extract_strided_slice %get3A_3 {offsets = [3, 0], sizes = [1, 4096], strides = [1, 1]} : vector<8x4096xf32> to vector<1x4096xf32>
    %slice3A_89 = vector.extract_strided_slice %get3A_3 {offsets = [4, 0], sizes = [1, 4096], strides = [1, 1]} : vector<8x4096xf32> to vector<1x4096xf32>
    %slice3A_90 = vector.extract_strided_slice %get3A_3 {offsets = [5, 0], sizes = [1, 4096], strides = [1, 1]} : vector<8x4096xf32> to vector<1x4096xf32>
    %slice3A_91 = vector.extract_strided_slice %get3A_3 {offsets = [6, 0], sizes = [1, 4096], strides = [1, 1]} : vector<8x4096xf32> to vector<1x4096xf32>
    %slice3A_92 = vector.extract_strided_slice %get3A_3 {offsets = [7, 0], sizes = [1, 4096], strides = [1, 1]} : vector<8x4096xf32> to vector<1x4096xf32>
    %slice3A_93 = vector.extract_strided_slice %min3A_71 {offsets = [0, 0], sizes = [1, 4096], strides = [1, 1]} : vector<8x4096xf32> to vector<1x4096xf32>
    %slice3A_94 = vector.extract_strided_slice %min3A_71 {offsets = [1, 0], sizes = [1, 4096], strides = [1, 1]} : vector<8x4096xf32> to vector<1x4096xf32>
    %slice3A_95 = vector.extract_strided_slice %min3A_71 {offsets = [2, 0], sizes = [1, 4096], strides = [1, 1]} : vector<8x4096xf32> to vector<1x4096xf32>
    %slice3A_96 = vector.extract_strided_slice %min3A_71 {offsets = [3, 0], sizes = [1, 4096], strides = [1, 1]} : vector<8x4096xf32> to vector<1x4096xf32>
    %slice3A_97 = vector.extract_strided_slice %min3A_71 {offsets = [4, 0], sizes = [1, 4096], strides = [1, 1]} : vector<8x4096xf32> to vector<1x4096xf32>
    %slice3A_98 = vector.extract_strided_slice %min3A_71 {offsets = [5, 0], sizes = [1, 4096], strides = [1, 1]} : vector<8x4096xf32> to vector<1x4096xf32>
    %slice3A_99 = vector.extract_strided_slice %min3A_71 {offsets = [6, 0], sizes = [1, 4096], strides = [1, 1]} : vector<8x4096xf32> to vector<1x4096xf32>
    %slice3A_100 = vector.extract_strided_slice %min3A_71 {offsets = [7, 0], sizes = [1, 4096], strides = [1, 1]} : vector<8x4096xf32> to vector<1x4096xf32>
    %slice3A_101 = vector.extract_strided_slice %abs3A {offsets = [0, 0], sizes = [1, 4096], strides = [1, 1]} : vector<8x4096xf32> to vector<1x4096xf32>
    %slice3A_102 = vector.extract_strided_slice %abs3A {offsets = [1, 0], sizes = [1, 4096], strides = [1, 1]} : vector<8x4096xf32> to vector<1x4096xf32>
    %slice3A_103 = vector.extract_strided_slice %abs3A {offsets = [2, 0], sizes = [1, 4096], strides = [1, 1]} : vector<8x4096xf32> to vector<1x4096xf32>
    %slice3A_104 = vector.extract_strided_slice %abs3A {offsets = [3, 0], sizes = [1, 4096], strides = [1, 1]} : vector<8x4096xf32> to vector<1x4096xf32>
    %slice3A_105 = vector.extract_strided_slice %abs3A {offsets = [4, 0], sizes = [1, 4096], strides = [1, 1]} : vector<8x4096xf32> to vector<1x4096xf32>
    %slice3A_106 = vector.extract_strided_slice %abs3A {offsets = [5, 0], sizes = [1, 4096], strides = [1, 1]} : vector<8x4096xf32> to vector<1x4096xf32>
    %slice3A_107 = vector.extract_strided_slice %abs3A {offsets = [6, 0], sizes = [1, 4096], strides = [1, 1]} : vector<8x4096xf32> to vector<1x4096xf32>
    %slice3A_108 = vector.extract_strided_slice %abs3A {offsets = [7, 0], sizes = [1, 4096], strides = [1, 1]} : vector<8x4096xf32> to vector<1x4096xf32>
    %gt3A = arith.cmpf ogt, %slice3A, %slice3A_86 : vector<1x4096xf32>
    %select_n3A = arith.select %gt3A, %slice3A_86, %slice3A : vector<1x4096xi1>, vector<1x4096xf32>
    %select_n3A_109 = arith.select %gt3A, %slice3A, %slice3A_86 : vector<1x4096xi1>, vector<1x4096xf32>
    %select_n3A_110 = arith.select %gt3A, %slice3A_94, %slice3A_93 : vector<1x4096xi1>, vector<1x4096xf32>
    %select_n3A_111 = arith.select %gt3A, %slice3A_93, %slice3A_94 : vector<1x4096xi1>, vector<1x4096xf32>
    %select_n3A_112 = arith.select %gt3A, %slice3A_102, %slice3A_101 : vector<1x4096xi1>, vector<1x4096xf32>
    %select_n3A_113 = arith.select %gt3A, %slice3A_101, %slice3A_102 : vector<1x4096xi1>, vector<1x4096xf32>
    %gt3A_114 = arith.cmpf ogt, %slice3A_87, %slice3A_88 : vector<1x4096xf32>
    %select_n3A_115 = arith.select %gt3A_114, %slice3A_88, %slice3A_87 : vector<1x4096xi1>, vector<1x4096xf32>
    %select_n3A_116 = arith.select %gt3A_114, %slice3A_87, %slice3A_88 : vector<1x4096xi1>, vector<1x4096xf32>
    %select_n3A_117 = arith.select %gt3A_114, %slice3A_96, %slice3A_95 : vector<1x4096xi1>, vector<1x4096xf32>
    %select_n3A_118 = arith.select %gt3A_114, %slice3A_95, %slice3A_96 : vector<1x4096xi1>, vector<1x4096xf32>
    %select_n3A_119 = arith.select %gt3A_114, %slice3A_104, %slice3A_103 : vector<1x4096xi1>, vector<1x4096xf32>
    %select_n3A_120 = arith.select %gt3A_114, %slice3A_103, %slice3A_104 : vector<1x4096xi1>, vector<1x4096xf32>
    %gt3A_121 = arith.cmpf ogt, %slice3A_89, %slice3A_90 : vector<1x4096xf32>
    %select_n3A_122 = arith.select %gt3A_121, %slice3A_90, %slice3A_89 : vector<1x4096xi1>, vector<1x4096xf32>
    %select_n3A_123 = arith.select %gt3A_121, %slice3A_89, %slice3A_90 : vector<1x4096xi1>, vector<1x4096xf32>
    %select_n3A_124 = arith.select %gt3A_121, %slice3A_98, %slice3A_97 : vector<1x4096xi1>, vector<1x4096xf32>
    %select_n3A_125 = arith.select %gt3A_121, %slice3A_97, %slice3A_98 : vector<1x4096xi1>, vector<1x4096xf32>
    %select_n3A_126 = arith.select %gt3A_121, %slice3A_106, %slice3A_105 : vector<1x4096xi1>, vector<1x4096xf32>
    %select_n3A_127 = arith.select %gt3A_121, %slice3A_105, %slice3A_106 : vector<1x4096xi1>, vector<1x4096xf32>
    %gt3A_128 = arith.cmpf ogt, %slice3A_91, %slice3A_92 : vector<1x4096xf32>
    %select_n3A_129 = arith.select %gt3A_128, %slice3A_92, %slice3A_91 : vector<1x4096xi1>, vector<1x4096xf32>
    %select_n3A_130 = arith.select %gt3A_128, %slice3A_91, %slice3A_92 : vector<1x4096xi1>, vector<1x4096xf32>
    %select_n3A_131 = arith.select %gt3A_128, %slice3A_100, %slice3A_99 : vector<1x4096xi1>, vector<1x4096xf32>
    %select_n3A_132 = arith.select %gt3A_128, %slice3A_99, %slice3A_100 : vector<1x4096xi1>, vector<1x4096xf32>
    %select_n3A_133 = arith.select %gt3A_128, %slice3A_108, %slice3A_107 : vector<1x4096xi1>, vector<1x4096xf32>
    %select_n3A_134 = arith.select %gt3A_128, %slice3A_107, %slice3A_108 : vector<1x4096xi1>, vector<1x4096xf32>
    %gt3A_135 = arith.cmpf ogt, %select_n3A, %select_n3A_115 : vector<1x4096xf32>
    %select_n3A_136 = arith.select %gt3A_135, %select_n3A_115, %select_n3A : vector<1x4096xi1>, vector<1x4096xf32>
    %select_n3A_137 = arith.select %gt3A_135, %select_n3A, %select_n3A_115 : vector<1x4096xi1>, vector<1x4096xf32>
    %select_n3A_138 = arith.select %gt3A_135, %select_n3A_117, %select_n3A_110 : vector<1x4096xi1>, vector<1x4096xf32>
    %select_n3A_139 = arith.select %gt3A_135, %select_n3A_110, %select_n3A_117 : vector<1x4096xi1>, vector<1x4096xf32>
    %select_n3A_140 = arith.select %gt3A_135, %select_n3A_119, %select_n3A_112 : vector<1x4096xi1>, vector<1x4096xf32>
    %select_n3A_141 = arith.select %gt3A_135, %select_n3A_112, %select_n3A_119 : vector<1x4096xi1>, vector<1x4096xf32>
    %gt3A_142 = arith.cmpf ogt, %select_n3A_109, %select_n3A_116 : vector<1x4096xf32>
    %select_n3A_143 = arith.select %gt3A_142, %select_n3A_116, %select_n3A_109 : vector<1x4096xi1>, vector<1x4096xf32>
    %select_n3A_144 = arith.select %gt3A_142, %select_n3A_109, %select_n3A_116 : vector<1x4096xi1>, vector<1x4096xf32>
    %select_n3A_145 = arith.select %gt3A_142, %select_n3A_118, %select_n3A_111 : vector<1x4096xi1>, vector<1x4096xf32>
    %select_n3A_146 = arith.select %gt3A_142, %select_n3A_111, %select_n3A_118 : vector<1x4096xi1>, vector<1x4096xf32>
    %select_n3A_147 = arith.select %gt3A_142, %select_n3A_120, %select_n3A_113 : vector<1x4096xi1>, vector<1x4096xf32>
    %select_n3A_148 = arith.select %gt3A_142, %select_n3A_113, %select_n3A_120 : vector<1x4096xi1>, vector<1x4096xf32>
    %gt3A_149 = arith.cmpf ogt, %select_n3A_122, %select_n3A_129 : vector<1x4096xf32>
    %select_n3A_150 = arith.select %gt3A_149, %select_n3A_129, %select_n3A_122 : vector<1x4096xi1>, vector<1x4096xf32>
    %select_n3A_151 = arith.select %gt3A_149, %select_n3A_122, %select_n3A_129 : vector<1x4096xi1>, vector<1x4096xf32>
    %select_n3A_152 = arith.select %gt3A_149, %select_n3A_131, %select_n3A_124 : vector<1x4096xi1>, vector<1x4096xf32>
    %select_n3A_153 = arith.select %gt3A_149, %select_n3A_124, %select_n3A_131 : vector<1x4096xi1>, vector<1x4096xf32>
    %select_n3A_154 = arith.select %gt3A_149, %select_n3A_133, %select_n3A_126 : vector<1x4096xi1>, vector<1x4096xf32>
    %select_n3A_155 = arith.select %gt3A_149, %select_n3A_126, %select_n3A_133 : vector<1x4096xi1>, vector<1x4096xf32>
    %gt3A_156 = arith.cmpf ogt, %select_n3A_123, %select_n3A_130 : vector<1x4096xf32>
    %select_n3A_157 = arith.select %gt3A_156, %select_n3A_130, %select_n3A_123 : vector<1x4096xi1>, vector<1x4096xf32>
    %select_n3A_158 = arith.select %gt3A_156, %select_n3A_123, %select_n3A_130 : vector<1x4096xi1>, vector<1x4096xf32>
    %select_n3A_159 = arith.select %gt3A_156, %select_n3A_132, %select_n3A_125 : vector<1x4096xi1>, vector<1x4096xf32>
    %select_n3A_160 = arith.select %gt3A_156, %select_n3A_125, %select_n3A_132 : vector<1x4096xi1>, vector<1x4096xf32>
    %select_n3A_161 = arith.select %gt3A_156, %select_n3A_134, %select_n3A_127 : vector<1x4096xi1>, vector<1x4096xf32>
    %select_n3A_162 = arith.select %gt3A_156, %select_n3A_127, %select_n3A_134 : vector<1x4096xi1>, vector<1x4096xf32>
    %gt3A_163 = arith.cmpf ogt, %select_n3A_143, %select_n3A_137 : vector<1x4096xf32>
    %select_n3A_164 = arith.select %gt3A_163, %select_n3A_137, %select_n3A_143 : vector<1x4096xi1>, vector<1x4096xf32>
    %select_n3A_165 = arith.select %gt3A_163, %select_n3A_143, %select_n3A_137 : vector<1x4096xi1>, vector<1x4096xf32>
    %select_n3A_166 = arith.select %gt3A_163, %select_n3A_139, %select_n3A_145 : vector<1x4096xi1>, vector<1x4096xf32>
    %select_n3A_167 = arith.select %gt3A_163, %select_n3A_145, %select_n3A_139 : vector<1x4096xi1>, vector<1x4096xf32>
    %select_n3A_168 = arith.select %gt3A_163, %select_n3A_141, %select_n3A_147 : vector<1x4096xi1>, vector<1x4096xf32>
    %select_n3A_169 = arith.select %gt3A_163, %select_n3A_147, %select_n3A_141 : vector<1x4096xi1>, vector<1x4096xf32>
    %gt3A_170 = arith.cmpf ogt, %select_n3A_157, %select_n3A_151 : vector<1x4096xf32>
    %select_n3A_171 = arith.select %gt3A_170, %select_n3A_151, %select_n3A_157 : vector<1x4096xi1>, vector<1x4096xf32>
    %select_n3A_172 = arith.select %gt3A_170, %select_n3A_157, %select_n3A_151 : vector<1x4096xi1>, vector<1x4096xf32>
    %select_n3A_173 = arith.select %gt3A_170, %select_n3A_153, %select_n3A_159 : vector<1x4096xi1>, vector<1x4096xf32>
    %select_n3A_174 = arith.select %gt3A_170, %select_n3A_159, %select_n3A_153 : vector<1x4096xi1>, vector<1x4096xf32>
    %select_n3A_175 = arith.select %gt3A_170, %select_n3A_155, %select_n3A_161 : vector<1x4096xi1>, vector<1x4096xf32>
    %select_n3A_176 = arith.select %gt3A_170, %select_n3A_161, %select_n3A_155 : vector<1x4096xi1>, vector<1x4096xf32>
    %gt3A_177 = arith.cmpf ogt, %select_n3A_136, %select_n3A_150 : vector<1x4096xf32>
    %select_n3A_178 = arith.select %gt3A_177, %select_n3A_136, %select_n3A_150 : vector<1x4096xi1>, vector<1x4096xf32>
    %select_n3A_179 = arith.select %gt3A_177, %select_n3A_152, %select_n3A_138 : vector<1x4096xi1>, vector<1x4096xf32>
    %select_n3A_180 = arith.select %gt3A_177, %select_n3A_138, %select_n3A_152 : vector<1x4096xi1>, vector<1x4096xf32>
    %select_n3A_181 = arith.select %gt3A_177, %select_n3A_154, %select_n3A_140 : vector<1x4096xi1>, vector<1x4096xf32>
    %select_n3A_182 = arith.select %gt3A_177, %select_n3A_140, %select_n3A_154 : vector<1x4096xi1>, vector<1x4096xf32>
    %gt3A_183 = arith.cmpf ogt, %select_n3A_144, %select_n3A_158 : vector<1x4096xf32>
    %select_n3A_184 = arith.select %gt3A_183, %select_n3A_158, %select_n3A_144 : vector<1x4096xi1>, vector<1x4096xf32>
    %select_n3A_185 = arith.select %gt3A_183, %select_n3A_160, %select_n3A_146 : vector<1x4096xi1>, vector<1x4096xf32>
    %select_n3A_186 = arith.select %gt3A_183, %select_n3A_146, %select_n3A_160 : vector<1x4096xi1>, vector<1x4096xf32>
    %select_n3A_187 = arith.select %gt3A_183, %select_n3A_162, %select_n3A_148 : vector<1x4096xi1>, vector<1x4096xf32>
    %select_n3A_188 = arith.select %gt3A_183, %select_n3A_148, %select_n3A_162 : vector<1x4096xi1>, vector<1x4096xf32>
    %gt3A_189 = arith.cmpf ogt, %select_n3A_164, %select_n3A_171 : vector<1x4096xf32>
    %select_n3A_190 = arith.select %gt3A_189, %select_n3A_171, %select_n3A_164 : vector<1x4096xi1>, vector<1x4096xf32>
    %select_n3A_191 = arith.select %gt3A_189, %select_n3A_164, %select_n3A_171 : vector<1x4096xi1>, vector<1x4096xf32>
    %select_n3A_192 = arith.select %gt3A_189, %select_n3A_173, %select_n3A_166 : vector<1x4096xi1>, vector<1x4096xf32>
    %select_n3A_193 = arith.select %gt3A_189, %select_n3A_166, %select_n3A_173 : vector<1x4096xi1>, vector<1x4096xf32>
    %select_n3A_194 = arith.select %gt3A_189, %select_n3A_175, %select_n3A_168 : vector<1x4096xi1>, vector<1x4096xf32>
    %select_n3A_195 = arith.select %gt3A_189, %select_n3A_168, %select_n3A_175 : vector<1x4096xi1>, vector<1x4096xf32>
    %gt3A_196 = arith.cmpf ogt, %select_n3A_165, %select_n3A_172 : vector<1x4096xf32>
    %select_n3A_197 = arith.select %gt3A_196, %select_n3A_172, %select_n3A_165 : vector<1x4096xi1>, vector<1x4096xf32>
    %select_n3A_198 = arith.select %gt3A_196, %select_n3A_165, %select_n3A_172 : vector<1x4096xi1>, vector<1x4096xf32>
    %select_n3A_199 = arith.select %gt3A_196, %select_n3A_174, %select_n3A_167 : vector<1x4096xi1>, vector<1x4096xf32>
    %select_n3A_200 = arith.select %gt3A_196, %select_n3A_167, %select_n3A_174 : vector<1x4096xi1>, vector<1x4096xf32>
    %select_n3A_201 = arith.select %gt3A_196, %select_n3A_176, %select_n3A_169 : vector<1x4096xi1>, vector<1x4096xf32>
    %select_n3A_202 = arith.select %gt3A_196, %select_n3A_169, %select_n3A_176 : vector<1x4096xi1>, vector<1x4096xf32>
    %gt3A_203 = arith.cmpf ogt, %select_n3A_190, %select_n3A_178 : vector<1x4096xf32>
    %select_n3A_204 = arith.select %gt3A_203, %select_n3A_190, %select_n3A_178 : vector<1x4096xi1>, vector<1x4096xf32>
    %select_n3A_205 = arith.select %gt3A_203, %select_n3A_180, %select_n3A_192 : vector<1x4096xi1>, vector<1x4096xf32>
    %select_n3A_206 = arith.select %gt3A_203, %select_n3A_192, %select_n3A_180 : vector<1x4096xi1>, vector<1x4096xf32>
    %select_n3A_207 = arith.select %gt3A_203, %select_n3A_182, %select_n3A_194 : vector<1x4096xi1>, vector<1x4096xf32>
    %select_n3A_208 = arith.select %gt3A_203, %select_n3A_194, %select_n3A_182 : vector<1x4096xi1>, vector<1x4096xf32>
    %gt3A_209 = arith.cmpf ogt, %select_n3A_184, %select_n3A_198 : vector<1x4096xf32>
    %select_n3A_210 = arith.select %gt3A_209, %select_n3A_198, %select_n3A_184 : vector<1x4096xi1>, vector<1x4096xf32>
    %select_n3A_211 = arith.select %gt3A_209, %select_n3A_200, %select_n3A_185 : vector<1x4096xi1>, vector<1x4096xf32>
    %select_n3A_212 = arith.select %gt3A_209, %select_n3A_185, %select_n3A_200 : vector<1x4096xi1>, vector<1x4096xf32>
    %select_n3A_213 = arith.select %gt3A_209, %select_n3A_202, %select_n3A_187 : vector<1x4096xi1>, vector<1x4096xf32>
    %select_n3A_214 = arith.select %gt3A_209, %select_n3A_187, %select_n3A_202 : vector<1x4096xi1>, vector<1x4096xf32>
    %gt3A_215 = arith.cmpf ogt, %select_n3A_197, %select_n3A_204 : vector<1x4096xf32>
    %select_n3A_216 = arith.select %gt3A_215, %select_n3A_197, %select_n3A_204 : vector<1x4096xi1>, vector<1x4096xf32>
    %select_n3A_217 = arith.select %gt3A_215, %select_n3A_206, %select_n3A_199 : vector<1x4096xi1>, vector<1x4096xf32>
    %select_n3A_218 = arith.select %gt3A_215, %select_n3A_199, %select_n3A_206 : vector<1x4096xi1>, vector<1x4096xf32>
    %select_n3A_219 = arith.select %gt3A_215, %select_n3A_208, %select_n3A_201 : vector<1x4096xi1>, vector<1x4096xf32>
    %select_n3A_220 = arith.select %gt3A_215, %select_n3A_201, %select_n3A_208 : vector<1x4096xi1>, vector<1x4096xf32>
    %gt3A_221 = arith.cmpf ogt, %select_n3A_210, %select_n3A_191 : vector<1x4096xf32>
    %select_n3A_222 = arith.select %gt3A_221, %select_n3A_191, %select_n3A_210 : vector<1x4096xi1>, vector<1x4096xf32>
    %select_n3A_223 = arith.select %gt3A_221, %select_n3A_193, %select_n3A_211 : vector<1x4096xi1>, vector<1x4096xf32>
    %select_n3A_224 = arith.select %gt3A_221, %select_n3A_211, %select_n3A_193 : vector<1x4096xi1>, vector<1x4096xf32>
    %select_n3A_225 = arith.select %gt3A_221, %select_n3A_195, %select_n3A_213 : vector<1x4096xi1>, vector<1x4096xf32>
    %select_n3A_226 = arith.select %gt3A_221, %select_n3A_213, %select_n3A_195 : vector<1x4096xi1>, vector<1x4096xf32>
    %gt3A_227 = arith.cmpf ogt, %select_n3A_222, %select_n3A_216 : vector<1x4096xf32>
    %select_n3A_228 = arith.select %gt3A_227, %select_n3A_218, %select_n3A_223 : vector<1x4096xi1>, vector<1x4096xf32>
    %select_n3A_229 = arith.select %gt3A_227, %select_n3A_223, %select_n3A_218 : vector<1x4096xi1>, vector<1x4096xf32>
    %select_n3A_230 = arith.select %gt3A_227, %select_n3A_220, %select_n3A_225 : vector<1x4096xi1>, vector<1x4096xf32>
    %select_n3A_231 = arith.select %gt3A_227, %select_n3A_225, %select_n3A_220 : vector<1x4096xi1>, vector<1x4096xf32>
    %broadcast_in_dim3A = arith.constant 1.000000e+00 : f32
    %broadcast_in_dim3A_232 = vector.broadcast %broadcast_in_dim3A : f32 to vector<1x4096xf32>
    %mul3A_233 = arith.mulf %select_n3A_179, %select_n3A_181 : vector<1x4096xf32>
    %sub3A_234 = arith.constant 1.000000e+00 : f32
    %sub3A_235 = vector.broadcast %sub3A_234 : f32 to vector<1x4096xf32>
    %sub3A_236 = arith.subf %sub3A_235, %select_n3A_205 : vector<1x4096xf32>
    %mul3A_237 = arith.mulf %broadcast_in_dim3A_232, %sub3A_236 : vector<1x4096xf32>
    %mul3A_238 = arith.mulf %select_n3A_205, %mul3A_237 : vector<1x4096xf32>
    %mul3A_239 = arith.mulf %mul3A_238, %select_n3A_207 : vector<1x4096xf32>
    %add3A_240 = arith.addf %mul3A_233, %mul3A_239 : vector<1x4096xf32>
    %sub3A_241 = arith.constant 1.000000e+00 : f32
    %sub3A_242 = vector.broadcast %sub3A_241 : f32 to vector<1x4096xf32>
    %sub3A_243 = arith.subf %sub3A_242, %select_n3A_217 : vector<1x4096xf32>
    %mul3A_244 = arith.mulf %mul3A_237, %sub3A_243 : vector<1x4096xf32>
    %mul3A_245 = arith.mulf %select_n3A_217, %mul3A_244 : vector<1x4096xf32>
    %mul3A_246 = arith.mulf %mul3A_245, %select_n3A_219 : vector<1x4096xf32>
    %add3A_247 = arith.addf %add3A_240, %mul3A_246 : vector<1x4096xf32>
    %sub3A_248 = arith.constant 1.000000e+00 : f32
    %sub3A_249 = vector.broadcast %sub3A_248 : f32 to vector<1x4096xf32>
    %sub3A_250 = arith.subf %sub3A_249, %select_n3A_228 : vector<1x4096xf32>
    %mul3A_251 = arith.mulf %mul3A_244, %sub3A_250 : vector<1x4096xf32>
    %mul3A_252 = arith.mulf %select_n3A_228, %mul3A_251 : vector<1x4096xf32>
    %mul3A_253 = arith.mulf %mul3A_252, %select_n3A_230 : vector<1x4096xf32>
    %add3A_254 = arith.addf %add3A_247, %mul3A_253 : vector<1x4096xf32>
    %sub3A_255 = arith.constant 1.000000e+00 : f32
    %sub3A_256 = vector.broadcast %sub3A_255 : f32 to vector<1x4096xf32>
    %sub3A_257 = arith.subf %sub3A_256, %select_n3A_229 : vector<1x4096xf32>
    %mul3A_258 = arith.mulf %mul3A_251, %sub3A_257 : vector<1x4096xf32>
    %mul3A_259 = arith.mulf %select_n3A_229, %mul3A_258 : vector<1x4096xf32>
    %mul3A_260 = arith.mulf %mul3A_259, %select_n3A_231 : vector<1x4096xf32>
    %add3A_261 = arith.addf %add3A_254, %mul3A_260 : vector<1x4096xf32>
    %sub3A_262 = arith.constant 1.000000e+00 : f32
    %sub3A_263 = vector.broadcast %sub3A_262 : f32 to vector<1x4096xf32>
    %sub3A_264 = arith.subf %sub3A_263, %select_n3A_224 : vector<1x4096xf32>
    %mul3A_265 = arith.mulf %mul3A_258, %sub3A_264 : vector<1x4096xf32>
    %mul3A_266 = arith.mulf %select_n3A_224, %mul3A_265 : vector<1x4096xf32>
    %mul3A_267 = arith.mulf %mul3A_266, %select_n3A_226 : vector<1x4096xf32>
    %add3A_268 = arith.addf %add3A_261, %mul3A_267 : vector<1x4096xf32>
    %sub3A_269 = arith.constant 1.000000e+00 : f32
    %sub3A_270 = vector.broadcast %sub3A_269 : f32 to vector<1x4096xf32>
    %sub3A_271 = arith.subf %sub3A_270, %select_n3A_212 : vector<1x4096xf32>
    %mul3A_272 = arith.mulf %mul3A_265, %sub3A_271 : vector<1x4096xf32>
    %mul3A_273 = arith.mulf %select_n3A_212, %mul3A_272 : vector<1x4096xf32>
    %mul3A_274 = arith.mulf %mul3A_273, %select_n3A_214 : vector<1x4096xf32>
    %add3A_275 = arith.addf %add3A_268, %mul3A_274 : vector<1x4096xf32>
    %sub3A_276 = arith.constant 1.000000e+00 : f32
    %sub3A_277 = vector.broadcast %sub3A_276 : f32 to vector<1x4096xf32>
    %sub3A_278 = arith.subf %sub3A_277, %select_n3A_186 : vector<1x4096xf32>
    %mul3A_279 = arith.mulf %mul3A_272, %sub3A_278 : vector<1x4096xf32>
    %mul3A_280 = arith.mulf %select_n3A_186, %mul3A_279 : vector<1x4096xf32>
    %mul3A_281 = arith.mulf %mul3A_280, %select_n3A_188 : vector<1x4096xf32>
    %add3A_282 = arith.addf %add3A_275, %mul3A_281 : vector<1x4096xf32>
    %reduce_sum3A = vector.shape_cast %add3A_282 : vector<1x4096xf32> to vector<1x1x4096xf32>
    %reduce_sum3A_283 = arith.constant dense<0.000000e+00> : vector<1xf32>
    %reduce_sum3A_284 = vector.multi_reduction <add>, %reduce_sum3A, %reduce_sum3A_283 [1, 2] : vector<1x1x4096xf32> to vector<1xf32>
    %reduce_sum3A_285 = vector.shape_cast %reduce_sum3A_284 : vector<1xf32> to vector<1x1x1xf32>
    %reduce_sum3A_286 = vector.extract %reduce_sum3A_285[0, 0, 0] : f32 from vector<1x1x1xf32>
    %broadcast_in_dim3A_287 = vector.broadcast %reduce_sum3A_286 : f32 to vector<1x1xf32>
    %mul3A_288 = arith.constant 2.44140625E-4 : f32
    %mul3A_289 = vector.broadcast %mul3A_288 : f32 to vector<1x1xf32>
    %mul3A_290 = arith.mulf %broadcast_in_dim3A_287, %mul3A_289 : vector<1x1xf32>
    %swap3A = arith.constant 0 : index
    %swap3A_291 = arith.constant 0 : index
    %swap3A_292 = vector.load %arg3[%swap3A, %swap3A_291] : memref<1x1xf32, #tpu.memory_space<vmem>>, vector<1x1xf32>
    tpu.vector_store %arg3[%swap3A, %swap3A_291], %mul3A_290 {strides = array<i32>} : memref<1x1xf32, #tpu.memory_space<vmem>>, vector<1x1xf32>,
    return
  }
}

</mosaic_0001>

<sc_bundles>
// kernel: kernel.6.cloned.1.call-start
scs
__scs_entry_jumppad:
0x0: {  	(pc) =	sbr.rel $0x88, $3  }
0x1: {  	(tag) =	ssettag $0x0;
	lr =	simm.s32 $0x1  }
0x2: {  	[smem:$0x3F97] =	sst lr;
	_ =	strace $0xD0000000  }
0x3: {  	_ = 	snop  }
0x4: {  	_ = 	snop  }
0x5: {  	_ = 	snop  }
0x6: {  	_ = 	snop  }
0x7: {  	_ = 	snop  }
__scs_overlays_trampoline_lowered:
0x8: {  	[smem:$0x3FA6] =	sst s0  }
0x9: {  	[smem:$0x3FA7] =	sst s1  }
0xa: {  	[smem:$0x3FA8] =	sst s2  }
0xb: {  	[smem:$0x3FA9] =	sst s3  }
0xc: {  	[smem:$0x3FAA] =	sst s4  }
0xd: {  	[smem:$0x3FAB] =	sst s5  }
0xe: {  	[smem:$0x3FAC] =	sst s6  }
0xf: {  	[smem:$0x3FAD] =	sst s7  }
0x10: {  	[smem:$0x3FAE] =	sst s8  }
0x11: {  	[smem:$0x3FAF] =	sst s9;
	s0 =	simm.s32 @!p0 $0x0  }
0x12: {  	s1 =	sld [smem:$0x3F95];
	s0 =	simm.s32 @p0 $0x1  }
0x13: {  	[smem:$0x3FB0] =	sst s0;
	s0 =	simm.s32 @!p1 $0x0  }
0x14: {  	s2 =	sld [smem:$0x3F94];
	s0 =	simm.s32 @p1 $0x1  }
0x15: {  	[smem:$0x3FB1] =	sst s0;
	s0 =	simm.s32 @!p2 $0x0  }
0x16: {  	s3 =	sld [smem:$0x3FDB];
	s0 =	simm.s32 @p2 $0x1  }
0x17: {  	s4 =	simm.s32 $0x1BF5;
	[smem:$0x3FB3] =	sst s0  }
0x18: {  	s0 =	sld [smem:$0x3F96];
	_ =	swait.ge [sflag:s4], $0x0  }
0x19: {  	s7 =	sld [smem:$0x3F97]  }
0x1a: {  	s8 =	sadd.s32 $0xFFFFE003, lr  }
0x1b: {  	s9 =	sadd.s32 $0xFFFFFEF7, lr;
	s5 =	simm.s32 $0xFFFFFFFF;
	p2 =	slt.u32 s8, $0xFFFFF086  }
0x1c: {  	p1 =	slt.u32 s9, $0xF7A;
	s5 =	simm.s32 @!p2 $0x0  }
0x1d: {  	s5 =	simm.s32 @p1 $0x1;
	p0 =	seq.s32 s7, s2  }
0x1e: {  	s7 =	smul.u32 @!p0 $0xF7A, s2;
	p2 =	seq.s32 @!p0 s5, $0x0  }
0x1f: {  	s9 =	smul.u32 $0xF7A, s1;
	s8 =	simm.s32 @!p0 $0x1BF5;
	p2 =	por !p2, p0  }
0x20: {  	[sflag:s8] =	ssyncset.s32 @!p0 $0xFFFFF086;
	s6 =	sadd.s32 @!p0 s3, s7;
	s7 =	simm.s32 @!p0 $0x108  }
0x21: {  	s3 =	sadd.s32 s3, s9;
	s6 =	sadd.s32 @!p0 $0x88, s6;
	s7 =	simm.s32 @p2 $0x1082  }
0x22: {  	[simem:s7], [sflag:s8] =	dma.local @!p0 [hbm:s6], $0xF7A  }
0x23: {  	s9 =	sor.u32 $0xD0000000, s2;
	s6 =	simm.s32 $0x108;
	_ =	swait.ge @!p0 [sflag:s8], $0x0  }
0x24: {  	s3 =	sadd.s32 $0x88, s3;
	s6 =	simm.s32 @!p1 $0x1082;
	[sflag:s4] =	ssyncset.s32 $0xFFFFF086  }
0x25: {  	[simem:s6], [sflag:s4] =	dma.local [hbm:s3], $0xF7A  }
0x26: {  	[smem:$0x3F97] =	sst s1;
	(tag) =	ssettag s2;
	_ =	strace s9  }
0x27: {  	s1 =	sld [smem:$0x3FA7]  }
0x28: {  	s2 =	sld [smem:$0x3FA8]  }
0x29: {  	s4 =	sld [smem:$0x3FAA]  }
0x2a: {  	p0 =	seq.s32 s5, $0x0;
	s5 =	sld [smem:$0x3FAB]  }
0x2b: {  	s6 =	sld [smem:$0x3FAC]  }
0x2c: {  	s7 =	sld [smem:$0x3FAD]  }
0x2d: {  	s3 =	simm.s32 $0x108;
	s8 =	sld [smem:$0x3FAE]  }
0x2e: {  	s3 =	simm.s32 @!p0 $0x1082;
	s9 =	sld [smem:$0x3FAF]  }
0x2f: {  	lr =	sadd.s32 s0, s3;
	s0 =	sld [smem:$0x3FA6]  }
0x30: {  	s3 =	sld [smem:$0x3FA9]  }
0x31: {  	[smem:$0x3FB2] =	sst s10  }
0x32: {  	s10 =	sld [smem:$0x3FB0];
	_ =	sdelay $0x3  }
0x33: {  	p0 =	seq.s32 s10, $0x1;
	s10 =	sld [smem:$0x3FB2];
	_ =	sdelay $0x3  }
0x34: {  	[smem:$0x3FB2] =	sst s10  }
0x35: {  	s10 =	sld [smem:$0x3FB1];
	_ =	sdelay $0x3  }
0x36: {  	p1 =	seq.s32 s10, $0x1;
	s10 =	sld [smem:$0x3FB2];
	_ =	sdelay $0x3  }
0x37: {  	[smem:$0x3FB2] =	sst s10  }
0x38: {  	s10 =	sld [smem:$0x3FB3]  }
0x39: {  	_ = 	snop;
	(pc) =	sbr.ind lr, $3  }
0x3a: {  	_ = 	snop  }
0x3b: {  	_ = 	snop  }
0x3c: {  	p2 =	seq.s32 s10, $0x1;
	s10 =	sld [smem:$0x3FB2]  }
0x3d: {  	_ =	shalt  }
0x3e: {  	_ =	shalt  }
0x3f: {  	_ =	shalt  }
0x40: {  	_ =	shalt  }
0x41: {  	_ =	shalt  }
0x42: {  	_ =	shalt  }
0x43: {  	_ =	shalt  }
0x44: {  	_ =	shalt  }
0x45: {  	_ =	shalt  }
0x46: {  	_ =	shalt  }
0x47: {  	_ =	shalt  }
0x48: {  	_ =	shalt  }
0x49: {  	_ =	shalt  }
0x4a: {  	_ =	shalt  }
0x4b: {  	_ =	shalt  }
0x4c: {  	_ =	shalt  }
0x4d: {  	_ =	shalt  }
0x4e: {  	_ =	shalt  }
0x4f: {  	_ =	shalt  }
0x50: {  	_ =	shalt  }
0x51: {  	_ =	shalt  }
0x52: {  	_ =	shalt  }
0x53: {  	_ =	shalt  }
0x54: {  	_ =	shalt  }
0x55: {  	_ =	shalt  }
0x56: {  	_ =	shalt  }
0x57: {  	_ =	shalt  }
0x58: {  	_ =	shalt  }
0x59: {  	_ =	shalt  }
0x5a: {  	_ =	shalt  }
0x5b: {  	_ =	shalt  }
0x5c: {  	_ =	shalt  }
0x5d: {  	_ =	shalt  }
0x5e: {  	_ =	shalt  }
0x5f: {  	_ =	shalt  }
0x60: {  	_ =	shalt  }
0x61: {  	_ =	shalt  }
0x62: {  	_ =	shalt  }
0x63: {  	_ =	shalt  }
0x64: {  	_ =	shalt  }
0x65: {  	_ =	shalt  }
0x66: {  	_ =	shalt  }
0x67: {  	_ =	shalt  }
0x68: {  	_ =	shalt  }
0x69: {  	_ =	shalt  }
0x6a: {  	_ =	shalt  }
0x6b: {  	_ =	shalt  }
0x6c: {  	_ =	shalt  }
0x6d: {  	_ =	shalt  }
0x6e: {  	_ =	shalt  }
0x6f: {  	_ =	shalt  }
0x70: {  	_ =	shalt  }
0x71: {  	_ =	shalt  }
0x72: {  	_ =	shalt  }
0x73: {  	_ =	shalt  }
0x74: {  	_ =	shalt  }
0x75: {  	_ =	shalt  }
0x76: {  	_ =	shalt  }
0x77: {  	_ =	shalt  }
0x78: {  	_ =	shalt  }
0x79: {  	_ =	shalt  }
0x7a: {  	_ =	shalt  }
0x7b: {  	_ =	shalt  }
0x7c: {  	_ =	shalt  }
0x7d: {  	_ =	shalt  }
0x7e: {  	_ =	shalt  }
0x7f: {  	_ =	shalt  }
0x80: {  	_ =	shalt  }
0x81: {  	_ =	shalt  }
0x82: {  	_ =	shalt  }
0x83: {  	_ =	shalt  }
0x84: {  	_ =	shalt  }
0x85: {  	_ =	shalt  }
0x86: {  	_ =	shalt  }
0x87: {  	_ =	shalt  }
.Lfunc_end0:
.L_simem_size_0:
called_computation_lowered:
.L_overlay_start_0:
0x88: {  	s2 =	sld [smem:$0x3FD9]  }
0x89: {  	s3 =	sld [smem:$0x3FFE];
	_ =	sdelay $0x1  }
0x8a: {  	s1 =	srdreg.scid  }
0x8b: {  	s0 =	sand.u32 $0x1, s1  }
0x8c: {  	s16 =	sshll.u32 s0, $0xA;
	s2 =	sadd.s32 s3, s2  }
0x8d: {  	s2 =	sadd.s32 s2, s16  }
0x8e: {  	[smem:$0x3FBE] =	sst s2  }
0x8f: {  	_ = 	snop  }
0x90: {  	(tm) =	ssettm $0x1  }
0x91: {  	s17 =	sld [smem:$0x3FFB];
	_ =	sdelay $0x3  }
0x92: {  	_ =	strace s17  }
0x93: {  	s2 =	sld [smem:$0x3FFC];
	_ =	sdelay $0x3  }
0x94: {  	_ =	strace s2  }
0x95: {  	s2 =	sld [smem:$0x3FFD];
	_ =	sdelay $0x3  }
0x96: {  	_ =	strace s2  }
0x97: {  	_ =	strace $0x8FFFFFFF  }
0x98: {  	s18 =	sld [smem:$0x3FDB];
	_ =	sdelay $0x1  }
0x99: {  	s19 =	simm.s32 $_scs_section_size  }
0x9a: {  	s4 =	simm.s32 $_size__tile_overlayer_lowered;
	s5 =	simm.s32 $_tile_overlayer_lowered  }
0x9b: {  	s22 =	simm.s32 $0x1BFF;
	s21 =	sshll.u32 s5, $0x1;
	s2 =	sadd.s32 s19, s18  }
0x9c: {  	s6 =	simm.s32 $0x0;
	s20 =	sshll.u32 s4, $0x1;
	s4 =	sadd.s32 s21, s2  }
0x9d: {  	[timem:s6], [sflag:s22] =	dma.local [hbm:s4], s20  }
0x9e: {  	_ =	swait.ge [sflag:s22], s20  }
0x9f: {  	s3 =	ssub.s32 $0x0, s20;
	[sflag:s22] =	ssyncset.done $0x0  }
0xa0: {  	[sflag:s22] =	ssyncadd.s32 s3;
	_ =	sdelay $0x1  }
0xa1: {  	s23 =	simm.s32 $0x1B8B  }
0xa2: {  	_ =	swait.ge [sflag:s23], $0x1  }
0xa3: {  	[sflag:s23] =	ssyncset.done $0x0  }
0xa4: {  	s25 =	simm.s32 $0x1B8E;
	s24 =	sld [smem:$0x3FFE];
	[sflag:s23] =	ssyncadd.s32 $0xFFFFFFFF  }
0xa5: {  	s26 =	simm.s32 $execute0_lowered;
	[smem:$0x3FD2] =	sst s25  }
0xa6: {  	s4 =	sshll.u32 s26, $0x1;
	_ =	strace $0x80000046;
	[dreg:$0x1] =	wrdreg $0xFFFFFFFF  }
0xa7: {  	s28 =	simm.s32 $_size_execute0_lowered;
	s2 =	sadd.s32 s2, s4;
	[dreg:$0x0] =	wrdreg $0x0  }
0xa8: {  	s4 =	sshll.u32 s28, $0x1;
	[dreg:$0x2] =	wrdreg s2  }
0xa9: {  	[dreg:$0x3] =	wrdreg s4  }
0xaa: {  	[dreg:$0x4] =	wrdreg $0xC0  }
0xab: {  	_ =	task [dreg:s6], $0x5FFFF  }
0xac: {  	[dreg:$0x1] =	wrdreg $0xFFFFFFFF  }
0xad: {  	[dreg:$0x0] =	wrdreg $0x60  }
0xae: {  	[dreg:$0x2] =	wrdreg s24  }
0xaf: {  	[dreg:$0x3] =	wrdreg $0x9  }
0xb0: {  	_ =	task.clear_ibuf [dreg:s6], $0x4FFFF;
	_ =	strace $0x90000046  }
0xb1: {  	s29 =	simm.s32 $0x9;
	_ =	strace $0x80000048  }
0xb2: {  	_ =	swait.ge [sflag:s29], $0x1  }
0xb3: {  	[sflag:s29] =	ssyncadd.s32 $0xFFFFFFFF  }
0xb4: {  	_ =	strace $0x90000048  }
0xb5: {  	_ =	sfence  }
0xb6: {  	s30 =	sld [smem:$0x0];
	_ =	sdelay $0x2  }
0xb7: {  	s31 =	sshll.u32 s1, $0xD;
	s1 =	sshrl.u32 s1, $0x2  }
0xb8: {  	s3 =	sand.u32 $0x4000, s31;
	s1 =	sadd.s32 s1, s30  }
0xb9: {  	s0 =	sor.u32 s3, s0;
	s1 =	sshll.u32 s1, $0x11  }
0xba: {  	s0 =	sor.u32 s1, s0  }
0xbb: {  	s0 =	sadd.s32 $0x8F2B, s0  }
0xbc: {  	[sflag:s0] =	ssyncadd.remote.s32 $0x1  }
0xbd: {  	_ =	sfence.sel $0xFFFF  }
0xbe: {  	[dreg:$0x0] =	wrdreg $0xFFFFFFFF;
	(pc) =	sbr.abs _section_cstart, $3  }
0xbf: {  	[dreg:$0x1] =	wrdreg $0xFFFFFFFF  }
0xc0: {  	_ =	task.clear_ibuf [dreg:s6], $0x2FFFF;
	_ =	strace $0x9FFFFFFF  }
0xc1: {  	(tm) =	ssettm $0x7FFFFFFF  }
tec
execute0_lowered:
.L_overlay_start_1:
0x0: {  	(tag) =	ssettag $0x1  }
0x1: {  	s1 =	srdreg.scid  }
0x2: {  	s0 =	stileid.u32;
	s6 =	sand.u32 $0x1, s1  }
0x3: {  	s8 =	rddreg [dreg:$0x0];
	s30 =	sshll.u32 s0, $0xB;
	s2 =	sshll.u32 s6, $0xA  }
0x4: {  	s7 =	simm.s32 $0x1;
	s1 =	rddreg [dreg:$0x1];
	s9 =	sor.u32 s2, s30  }
0x5: {  	s5 =	sadd.s32 $0x2400, s8;
	s2 =	simm.s32 $0x0;
	s3 =	sshrl.u32 s9, $0x3  }
0x6: {  	s10 =	ssub.s32 $0x2, s6;
	[smem:$0x7FF] =	sst s2;
	s3 =	sadd.s32 s3, s8  }
0x7: {  	_ =	strace $0x80000047;
	s4 =	sadd.s32 $0x1400, s3;
	s3 =	simm.s32 $0x2  }
0x8: {  	[tilespmem:s2], [sflag:$0x2] =	stream.linear.gather [hbm4b:s4+s2], $0x400, $0x38;
	[tilespmem:$0x4400] =	vst v63  }
0x9: {  	s6 =	simm.s32 $0x400;
	s11 =	sshrl.u32 s10, $0x1;
	_ =	swait.ge [sflag:s3], $0x400  }
0xa: {  	s9 =	sshll.u32 s9, $0x1;
	s31 =	ssub.s32 s10, s11;
	[sflag:s3] =	ssyncset.done $0x0  }
0xb: {  	s8 =	sadd.s32 s9, s8;
	s9 =	smax.u32 s31, $0x1;
	[sflag:s3] =	ssyncadd.s32 $0xFFFFFC00  }
0xc: {  	[tilespmem:s6], [sflag:$0x1] =	stream.indirect.gather [hbm4b:s5+s6], $0x10, s2, s6, $0xb8;
	[tilespmem:$0x4400] =	vst v63  }
0xd: {  	p0 =	sne.s32 s9, $0x1;
	_ =	swait.ge [sflag:s7], $0x4000  }
.Ltmp0:
0xe: {  	[sflag:s7] =	ssyncset.done $0x0;
	(pc) =	sbr.rel @!p0 .LBB2_2-.Ltmp0, $4  }
0xf: {  	s8 =	sadd.s32 $0xA400, s8;
	[sflag:s7] =	ssyncadd.s32 $0xFFFFC000  }
0x10: {  	[hbm4b:s8+s2] =	stream.linear.scatter [tilespmem:s6], [sflag:$0x2], $0x4000, $0x38;
	[tilespmem:$0x4400] =	vst v63  }
0x11: {  	_ =	swait.ge [sflag:s3], $0x4000  }
0x12: {  	s9 =	sadd.s32 $0xFFFFFFFF, s9;
	[sflag:s3] =	ssyncset.done $0x0  }
.LBB2_1:
0x13: {  	p0 =	sne.s32 s9, $0x1;
	s9 =	sadd.s32 $0xFFFFFFFF, s9;
	[sflag:s3] =	ssyncadd.s32 $0xFFFFC000  }
0x14: {  	[tilespmem:s2], [sflag:$0x2] =	stream.linear.gather [hbm4b:s4+s2], $0x400, $0x38;
	[tilespmem:$0x4400] =	vst v63  }
0x15: {  	_ =	swait.ge [sflag:s3], $0x400  }
0x16: {  	[sflag:s3] =	ssyncset.done $0x0  }
0x17: {  	[sflag:s3] =	ssyncadd.s32 $0xFFFFFC00  }
0x18: {  	[tilespmem:s6], [sflag:$0x1] =	stream.indirect.gather [hbm4b:s5+s6], $0x10, s2, s6, $0xb8;
	[tilespmem:$0x4400] =	vst v63  }
0x19: {  	_ =	swait.ge [sflag:s7], $0x4000  }
.Ltmp1:
0x1a: {  	[sflag:s7] =	ssyncset.done $0x0;
	(pc) =	sbr.rel @p0 .LBB2_1-.Ltmp1, $4  }
0x1b: {  	[sflag:s7] =	ssyncadd.s32 $0xFFFFC000  }
0x1c: {  	[hbm4b:s8+s2] =	stream.linear.scatter [tilespmem:s6], [sflag:$0x2], $0x4000, $0x38;
	[tilespmem:$0x4400] =	vst v63  }
0x1d: {  	_ =	swait.ge [sflag:s3], $0x4000  }
0x1e: {  	[sflag:s3] =	ssyncset.done $0x0  }
.LBB2_2:
0x1f: {  	[sflag:s3] =	ssyncadd.s32 $0xFFFFC000  }
0x20: {  	_ =	sfence.sel $0x180000  }
0x21: {  	[bflag:$0x0] =	sbarrier.arrive $0xFFFF  }
0x22: {  	p0 =	sne.s32 s0, $0x0;
	_ =	strace $0x90000047  }
0x23: {  	s0 =	sadd.s32 @!p0 $0x100000, s1;
	[bflag:$0x2] =	sbarrier.arrive $0xFFFF  }
0x24: {  	[sflag:s0] =	ssyncadd.tile.s32 @!p0 $0x1;
	_ =	shalt  }
.Lfunc_end2:
_tile_overlayer_lowered:
.L_overlay_start_2:
0x25: {  	(tag) =	ssettag $0x2  }
0x26: {  	s0 =	rddreg [dreg:$0x0];
	s2 =	stileid.u32  }
0x27: {  	s1 =	rddreg [dreg:$0x1];
	p0 =	sne.s32 s2, $0x0  }
0x28: {  	s3 =	rddreg [dreg:$0x2];
	[bflag:$0x3] =	sbarrier.arrive $0xFFFF;
	s2 =	simm.s32 @!p0 $0x1C02  }
0x29: {  	[timem:s3], [sflag:s2] =	dma.local @!p0 [hbm:s0], s1  }
0x2a: {  	s0 =	simm.s32 @!p0 $0x2  }
0x2b: {  	_ =	swait.ge @!p0 [sflag:s0], s1  }
0x2c: {  	s1 =	ssub.s32 @!p0 $0x0, s1;
	[sflag:s0] =	ssyncset.done @!p0 $0x0  }
0x2d: {  	[sflag:s0] =	ssyncadd.s32 @!p0 s1  }
0x2e: {  	[bflag:$0x3] =	sbarrier.arrive $0xFFFF  }
0x2f: {  	_ =	shalt  }

</sc_bundles>
